<compile_context>
chip_gen: v7x
topology: tpu7x:2x2x1
jax: 0.10.2.dev20260603
libtpu: 0.0.44.dev20260713+nightly
codegen_flags: <defaults>
</compile_context>

<pallas_src>
import functools

import jax
import jax.numpy as jnp
from jax import lax
from jax.experimental import pallas as pl
from jax.experimental.pallas import tpu as pltpu
from jax.experimental.pallas import tpu_sc as plsc

VOCAB = 100000
EMBED = 64
BATCH = 1024
CTX = 20

NUM_CORES = 2
NUM_SUBCORES = 16
NUM_WORKERS = NUM_CORES * NUM_SUBCORES
ROWS_PER_WORKER = BATCH // NUM_WORKERS
IDX_PER_WORKER = ROWS_PER_WORKER * CTX
GATHER_CHUNK = 80
NUM_CHUNKS = IDX_PER_WORKER // GATHER_CHUNK

VT = 1024
NVT = (VOCAB + VT - 1) // VT
LOG2E = 1.4426950408889634



def _sc_body(idx_hbm, table_hbm, out_hbm, idx_v, rows_v, acc_v, sem):
    wid = lax.axis_index("s") * NUM_CORES + lax.axis_index("c")
    row_base = wid * ROWS_PER_WORKER

    for j in range(CTX):
        pltpu.sync_copy(
            idx_hbm.at[j, pl.ds(row_base, ROWS_PER_WORKER)],
            idx_v.at[pl.ds(j * ROWS_PER_WORKER, ROWS_PER_WORKER)])

    copies = []
    for c in range(NUM_CHUNKS):
        sl = pl.ds(c * GATHER_CHUNK, GATHER_CHUNK)
        copies.append(
            pltpu.async_copy(table_hbm.at[idx_v.at[sl]], rows_v.at[sl], sem))
    for cp in copies:
        cp.wait()

    def body(r, carry):
        for d in range(EMBED // 16):
            lanes = pl.ds(d * 16, 16)
            a = rows_v[r, lanes]
            for j in range(1, CTX):
                a = a + rows_v[j * ROWS_PER_WORKER + r, lanes]
            acc_v[r, lanes] = a
        return carry

    lax.fori_loop(0, ROWS_PER_WORKER, body, 0)

    pltpu.sync_copy(acc_v, out_hbm.at[pl.ds(row_base, ROWS_PER_WORKER)])


@functools.cache
def _sc_gather_sum():
    return functools.partial(
        pl.kernel,
        mesh=plsc.VectorSubcoreMesh(core_axis_name="c", subcore_axis_name="s"),
        out_type=jax.ShapeDtypeStruct((BATCH, EMBED), jnp.float32),
        scratch_types=[
            pltpu.VMEM((IDX_PER_WORKER,), jnp.int32),
            pltpu.VMEM((IDX_PER_WORKER, EMBED), jnp.float32),
            pltpu.VMEM((ROWS_PER_WORKER, EMBED), jnp.float32),
            pltpu.SemaphoreType.DMA,
        ],
        compiler_params=pltpu.CompilerParams(use_tc_tiling_on_sc=False),
    )(_sc_body)



def _logits_tile(s_ref, w_ref, b_ref):
    logits_t = lax.dot_general(
        w_ref[...].astype(jnp.bfloat16), s_ref[...].astype(jnp.bfloat16),
        (((0,), (1,)), ((), ())),
        preferred_element_type=jnp.float32)
    bias_bc = lax.dot_general(
        b_ref[...].astype(jnp.bfloat16), jnp.ones((1, BATCH), jnp.bfloat16),
        (((0,), (0,)), ((), ())),
        preferred_element_type=jnp.float32)
    return logits_t + bias_bc


def _stats_kernel(s_ref, w_ref, b_ref, z_ref, acc_ref):
    v = pl.program_id(0)
    nv = pl.num_programs(0)
    wl = (w_ref[...] * LOG2E).astype(jnp.bfloat16)
    l2 = lax.dot_general(
        wl, s_ref[...].astype(jnp.bfloat16),
        (((0,), (1,)), ((), ())),
        preferred_element_type=jnp.float32)
    b2 = lax.dot_general(
        (b_ref[...] * LOG2E).astype(jnp.bfloat16),
        jnp.ones((1, BATCH), jnp.bfloat16),
        (((0,), (0,)), ((), ())),
        preferred_element_type=jnp.float32)
    x = l2 + b2
    row = lax.broadcasted_iota(jnp.int32, x.shape, 0) + v * VT
    x = jnp.where(row < VOCAB, x, -1e4)
    ts = jnp.sum(jnp.exp2(x), axis=0, keepdims=True)

    @pl.when(v == 0)
    def _():
        acc_ref[...] = ts

    @pl.when(v > 0)
    def _():
        acc_ref[...] += ts

    @pl.when(v == nv - 1)
    def _():
        z_ref[...] = jnp.log(acc_ref[...])


def _write_kernel(s_ref, w_ref, b_ref, z_ref, out_ref):
    out_ref[...] = _logits_tile(s_ref, w_ref, b_ref) - z_ref[...]


def _log_softmax_linear(summed, lin_Wt, lin_b2d):
    logZ = pl.pallas_call(
        _stats_kernel,
        grid=(NVT,),
        in_specs=[
            pl.BlockSpec((BATCH, EMBED), lambda v: (0, 0)),
            pl.BlockSpec((EMBED, VT), lambda v: (0, v)),
            pl.BlockSpec((1, VT), lambda v: (0, v)),
        ],
        out_specs=pl.BlockSpec((1, BATCH), lambda v: (0, 0)),
        out_shape=jax.ShapeDtypeStruct((1, BATCH), jnp.float32),
        scratch_shapes=[pltpu.VMEM((1, BATCH), jnp.float32)],
    )(summed, lin_Wt, lin_b2d)

    out_t = pl.pallas_call(
        _write_kernel,
        grid=(NVT,),
        in_specs=[
            pl.BlockSpec((BATCH, EMBED), lambda v: (0, 0)),
            pl.BlockSpec((EMBED, VT), lambda v: (0, v)),
            pl.BlockSpec((1, VT), lambda v: (0, v)),
            pl.BlockSpec((1, BATCH), lambda v: (0, 0)),
        ],
        out_specs=pl.BlockSpec((VT, BATCH), lambda v: (v, 0)),
        out_shape=jax.ShapeDtypeStruct((VOCAB, BATCH), jnp.float32),
        compiler_params=pltpu.CompilerParams(
            dimension_semantics=("parallel",)),
    )(summed, lin_Wt, lin_b2d, logZ)
    return out_t


def kernel(inputs, emb_table, lin_W, lin_b):
    idx_t = inputs.T.astype(jnp.int32)
    summed = _sc_gather_sum()(idx_t, emb_table)
    out_t = _log_softmax_linear(summed, lin_W.T, lin_b.reshape(1, VOCAB))
    return out_t.T

# --- scband reference (transcript-rebuilt; emitter-appended) ---
"""Pipeline reference for scband-continuous-bag-of-words-20804821581914 (READ-ONLY COPY).

The authoritative reference and input builder live on the scoring server;
editing this copy changes nothing except your own understanding.
"""

import jax, jax.numpy as jnp
import numpy as np

VOCAB = 100000
EMBED = 64
BATCH = 1024
CTX = 20

def setup_inputs(seed: int = 0) -> dict:
    key = jax.random.key(seed)
    k1, k2, k3 = jax.random.split(key, 3)
    inputs = jax.random.randint(k1, (BATCH, CTX), 0, VOCAB, dtype=jnp.int64 if jax.config.jax_enable_x64 else jnp.int32)
    emb_table = jax.random.normal(k2, (VOCAB, EMBED), dtype=jnp.float32) * 0.02
    lin_W = jax.random.normal(k3, (VOCAB, EMBED), dtype=jnp.float32) * 0.02  # torch Linear weight [out_features, in_features]
    lin_b = jnp.zeros((VOCAB,), dtype=jnp.float32)
    return {"inputs": inputs, "emb_table": emb_table, "lin_W": lin_W, "lin_b": lin_b}

def reference(inputs, emb_table, lin_W, lin_b):
    # embedding lookup: gather rows of the table
    embeds = jnp.take(emb_table, inputs, axis=0)          # [B, CTX, EMBED]
    summed = embeds.sum(axis=-2)                           # [B, EMBED]
    out = summed @ lin_W.T + lin_b                         # [B, VOCAB]
    log_probs = jax.nn.log_softmax(out, axis=-1)
    return log_probs

if __name__ == "__main__":
    import jax
    _d = setup_inputs()
    print(jax.jit(kernel)(*tuple(_d.values())))

</pallas_src>

<mosaic_0001>
#map = affine_map<(d0, d1) -> (0, 0)>
module attributes {stable_mosaic.version = 14 : i64} {
  func.func @_sc_body(%arg0: i32, %arg1: i32, %arg2: memref<20x1024xi32, #tpu.memory_space<hbm>>, %arg3: memref<100000x64xf32, #tpu.memory_space<hbm>>, %arg4: memref<1024x64xf32, #tpu.memory_space<hbm>>, %arg5: memref<640xi32, #tpu.memory_space<vmem>>, %arg6: memref<640x64xf32, #tpu.memory_space<vmem>>, %arg7: memref<32x64xf32, #tpu.memory_space<vmem>>, %arg8: memref<!tpu.dma_semaphore, #tpu.memory_space<semaphore_mem>>) attributes {dimension_semantics = [#tpu.dimension_semantics<core_parallel>, #tpu.dimension_semantics<subcore_parallel>], iteration_bounds = array<i64: 2, 16>, scalar_prefetch = 0 : i64, scratch_operands = 4 : i64, tpu.core_type = #tpu.core_type<sc_vector_subcore>, window_params = [{transform_indices = #map}, {transform_indices = #map}, {transform_indices = #map}]} {
    %mul3A = arith.constant 2 : i32
    %mul3A_0 = arith.muli %arg1, %mul3A : i32
    %add3A = arith.addi %mul3A_0, %arg0 : i32
    %mul3A_1 = arith.constant 32 : i32
    %mul3A_2 = arith.muli %add3A, %mul3A_1 : i32
    %run_scoped3A = arith.constant 0 : i32
    "tpu.region"() ({
      %run_scoped3A_153 = tpu.sem_alloc : memref<!tpu.dma_semaphore, #tpu.memory_space<semaphore_mem>>
      %dma_start3A_154 = arith.constant 0 : i32
      %dma_start3A_155 = tpu.memref_slice %arg5[%dma_start3A_154] : memref<640xi32, #tpu.memory_space<vmem>> -> memref<32xi32, #tpu.memory_space<vmem>>
      %dma_start3A_156 = tpu.memref_slice %arg2[%run_scoped3A, %mul3A_2] : memref<20x1024xi32, #tpu.memory_space<hbm>> -> memref<1x32xi32, #tpu.memory_space<hbm>>
      %dma_start3A_157 = tpu.memref_squeeze %dma_start3A_156 : memref<1x32xi32, #tpu.memory_space<hbm>> -> memref<32xi32, #tpu.memory_space<hbm>>
      %dma_start3A_158 = arith.constant 0 : i32
      %dma_start3A_159 = tpu.memref_slice %arg5[%dma_start3A_158] : memref<640xi32, #tpu.memory_space<vmem>> -> memref<32xi32, #tpu.memory_space<vmem>>
      %dma_start3A_160 = tpu.memref_slice %arg2[%run_scoped3A, %mul3A_2] : memref<20x1024xi32, #tpu.memory_space<hbm>> -> memref<1x32xi32, #tpu.memory_space<hbm>>
      %dma_start3A_161 = tpu.memref_squeeze %dma_start3A_160 : memref<1x32xi32, #tpu.memory_space<hbm>> -> memref<32xi32, #tpu.memory_space<hbm>>
      tpu.enqueue_dma source(%dma_start3A_161 : memref<32xi32, #tpu.memory_space<hbm>>) target(%dma_start3A_159 : memref<32xi32, #tpu.memory_space<vmem>>) target_semaphore(%run_scoped3A_153 : memref<!tpu.dma_semaphore, #tpu.memory_space<semaphore_mem>>)
      %dma_wait3A_162 = arith.constant 0 : i32
      %dma_wait3A_163 = tpu.memref_slice %arg5[%dma_wait3A_162] : memref<640xi32, #tpu.memory_space<vmem>> -> memref<32xi32, #tpu.memory_space<vmem>>
      %dma_wait3A_164 = tpu.memref_slice %arg2[%run_scoped3A, %mul3A_2] : memref<20x1024xi32, #tpu.memory_space<hbm>> -> memref<1x32xi32, #tpu.memory_space<hbm>>
      %dma_wait3A_165 = tpu.memref_squeeze %dma_wait3A_164 : memref<1x32xi32, #tpu.memory_space<hbm>> -> memref<32xi32, #tpu.memory_space<hbm>>
      %dma_wait3A_166 = arith.constant 0 : i32
      %dma_wait3A_167 = tpu.memref_slice %arg5[%dma_wait3A_166] : memref<640xi32, #tpu.memory_space<vmem>> -> memref<32xi32, #tpu.memory_space<vmem>>
      %dma_wait3A_168 = tpu.memref_slice %arg2[%run_scoped3A, %mul3A_2] : memref<20x1024xi32, #tpu.memory_space<hbm>> -> memref<1x32xi32, #tpu.memory_space<hbm>>
      %dma_wait3A_169 = tpu.memref_squeeze %dma_wait3A_168 : memref<1x32xi32, #tpu.memory_space<hbm>> -> memref<32xi32, #tpu.memory_space<hbm>>
      tpu.wait_dma2 semaphore(%run_scoped3A_153 : memref<!tpu.dma_semaphore, #tpu.memory_space<semaphore_mem>>) src(%dma_wait3A_169 : memref<32xi32, #tpu.memory_space<hbm>>) dst(%dma_wait3A_167 : memref<32xi32, #tpu.memory_space<vmem>>)
      tpu.yield
    }) : () -> ()
    %run_scoped3A_3 = arith.constant 1 : i32
    "tpu.region"() ({
      %run_scoped3A_153 = tpu.sem_alloc : memref<!tpu.dma_semaphore, #tpu.memory_space<semaphore_mem>>
      %dma_start3A_154 = arith.constant 32 : i32
      %dma_start3A_155 = tpu.memref_slice %arg5[%dma_start3A_154] : memref<640xi32, #tpu.memory_space<vmem>> -> memref<32xi32, #tpu.memory_space<vmem>>
      %dma_start3A_156 = tpu.memref_slice %arg2[%run_scoped3A_3, %mul3A_2] : memref<20x1024xi32, #tpu.memory_space<hbm>> -> memref<1x32xi32, #tpu.memory_space<hbm>>
      %dma_start3A_157 = tpu.memref_squeeze %dma_start3A_156 : memref<1x32xi32, #tpu.memory_space<hbm>> -> memref<32xi32, #tpu.memory_space<hbm>>
      %dma_start3A_158 = arith.constant 32 : i32
      %dma_start3A_159 = tpu.memref_slice %arg5[%dma_start3A_158] : memref<640xi32, #tpu.memory_space<vmem>> -> memref<32xi32, #tpu.memory_space<vmem>>
      %dma_start3A_160 = tpu.memref_slice %arg2[%run_scoped3A_3, %mul3A_2] : memref<20x1024xi32, #tpu.memory_space<hbm>> -> memref<1x32xi32, #tpu.memory_space<hbm>>
      %dma_start3A_161 = tpu.memref_squeeze %dma_start3A_160 : memref<1x32xi32, #tpu.memory_space<hbm>> -> memref<32xi32, #tpu.memory_space<hbm>>
      tpu.enqueue_dma source(%dma_start3A_161 : memref<32xi32, #tpu.memory_space<hbm>>) target(%dma_start3A_159 : memref<32xi32, #tpu.memory_space<vmem>>) target_semaphore(%run_scoped3A_153 : memref<!tpu.dma_semaphore, #tpu.memory_space<semaphore_mem>>)
      %dma_wait3A_162 = arith.constant 32 : i32
      %dma_wait3A_163 = tpu.memref_slice %arg5[%dma_wait3A_162] : memref<640xi32, #tpu.memory_space<vmem>> -> memref<32xi32, #tpu.memory_space<vmem>>
      %dma_wait3A_164 = tpu.memref_slice %arg2[%run_scoped3A_3, %mul3A_2] : memref<20x1024xi32, #tpu.memory_space<hbm>> -> memref<1x32xi32, #tpu.memory_space<hbm>>
      %dma_wait3A_165 = tpu.memref_squeeze %dma_wait3A_164 : memref<1x32xi32, #tpu.memory_space<hbm>> -> memref<32xi32, #tpu.memory_space<hbm>>
      %dma_wait3A_166 = arith.constant 32 : i32
      %dma_wait3A_167 = tpu.memref_slice %arg5[%dma_wait3A_166] : memref<640xi32, #tpu.memory_space<vmem>> -> memref<32xi32, #tpu.memory_space<vmem>>
      %dma_wait3A_168 = tpu.memref_slice %arg2[%run_scoped3A_3, %mul3A_2] : memref<20x1024xi32, #tpu.memory_space<hbm>> -> memref<1x32xi32, #tpu.memory_space<hbm>>
      %dma_wait3A_169 = tpu.memref_squeeze %dma_wait3A_168 : memref<1x32xi32, #tpu.memory_space<hbm>> -> memref<32xi32, #tpu.memory_space<hbm>>
      tpu.wait_dma2 semaphore(%run_scoped3A_153 : memref<!tpu.dma_semaphore, #tpu.memory_space<semaphore_mem>>) src(%dma_wait3A_169 : memref<32xi32, #tpu.memory_space<hbm>>) dst(%dma_wait3A_167 : memref<32xi32, #tpu.memory_space<vmem>>)
      tpu.yield
    }) : () -> ()
    %run_scoped3A_4 = arith.constant 2 : i32
    "tpu.region"() ({
      %run_scoped3A_153 = tpu.sem_alloc : memref<!tpu.dma_semaphore, #tpu.memory_space<semaphore_mem>>
      %dma_start3A_154 = arith.constant 64 : i32
      %dma_start3A_155 = tpu.memref_slice %arg5[%dma_start3A_154] : memref<640xi32, #tpu.memory_space<vmem>> -> memref<32xi32, #tpu.memory_space<vmem>>
      %dma_start3A_156 = tpu.memref_slice %arg2[%run_scoped3A_4, %mul3A_2] : memref<20x1024xi32, #tpu.memory_space<hbm>> -> memref<1x32xi32, #tpu.memory_space<hbm>>
      %dma_start3A_157 = tpu.memref_squeeze %dma_start3A_156 : memref<1x32xi32, #tpu.memory_space<hbm>> -> memref<32xi32, #tpu.memory_space<hbm>>
      %dma_start3A_158 = arith.constant 64 : i32
      %dma_start3A_159 = tpu.memref_slice %arg5[%dma_start3A_158] : memref<640xi32, #tpu.memory_space<vmem>> -> memref<32xi32, #tpu.memory_space<vmem>>
      %dma_start3A_160 = tpu.memref_slice %arg2[%run_scoped3A_4, %mul3A_2] : memref<20x1024xi32, #tpu.memory_space<hbm>> -> memref<1x32xi32, #tpu.memory_space<hbm>>
      %dma_start3A_161 = tpu.memref_squeeze %dma_start3A_160 : memref<1x32xi32, #tpu.memory_space<hbm>> -> memref<32xi32, #tpu.memory_space<hbm>>
      tpu.enqueue_dma source(%dma_start3A_161 : memref<32xi32, #tpu.memory_space<hbm>>) target(%dma_start3A_159 : memref<32xi32, #tpu.memory_space<vmem>>) target_semaphore(%run_scoped3A_153 : memref<!tpu.dma_semaphore, #tpu.memory_space<semaphore_mem>>)
      %dma_wait3A_162 = arith.constant 64 : i32
      %dma_wait3A_163 = tpu.memref_slice %arg5[%dma_wait3A_162] : memref<640xi32, #tpu.memory_space<vmem>> -> memref<32xi32, #tpu.memory_space<vmem>>
      %dma_wait3A_164 = tpu.memref_slice %arg2[%run_scoped3A_4, %mul3A_2] : memref<20x1024xi32, #tpu.memory_space<hbm>> -> memref<1x32xi32, #tpu.memory_space<hbm>>
      %dma_wait3A_165 = tpu.memref_squeeze %dma_wait3A_164 : memref<1x32xi32, #tpu.memory_space<hbm>> -> memref<32xi32, #tpu.memory_space<hbm>>
      %dma_wait3A_166 = arith.constant 64 : i32
      %dma_wait3A_167 = tpu.memref_slice %arg5[%dma_wait3A_166] : memref<640xi32, #tpu.memory_space<vmem>> -> memref<32xi32, #tpu.memory_space<vmem>>
      %dma_wait3A_168 = tpu.memref_slice %arg2[%run_scoped3A_4, %mul3A_2] : memref<20x1024xi32, #tpu.memory_space<hbm>> -> memref<1x32xi32, #tpu.memory_space<hbm>>
      %dma_wait3A_169 = tpu.memref_squeeze %dma_wait3A_168 : memref<1x32xi32, #tpu.memory_space<hbm>> -> memref<32xi32, #tpu.memory_space<hbm>>
      tpu.wait_dma2 semaphore(%run_scoped3A_153 : memref<!tpu.dma_semaphore, #tpu.memory_space<semaphore_mem>>) src(%dma_wait3A_169 : memref<32xi32, #tpu.memory_space<hbm>>) dst(%dma_wait3A_167 : memref<32xi32, #tpu.memory_space<vmem>>)
      tpu.yield
    }) : () -> ()
    %run_scoped3A_5 = arith.constant 3 : i32
    "tpu.region"() ({
      %run_scoped3A_153 = tpu.sem_alloc : memref<!tpu.dma_semaphore, #tpu.memory_space<semaphore_mem>>
      %dma_start3A_154 = arith.constant 96 : i32
      %dma_start3A_155 = tpu.memref_slice %arg5[%dma_start3A_154] : memref<640xi32, #tpu.memory_space<vmem>> -> memref<32xi32, #tpu.memory_space<vmem>>
      %dma_start3A_156 = tpu.memref_slice %arg2[%run_scoped3A_5, %mul3A_2] : memref<20x1024xi32, #tpu.memory_space<hbm>> -> memref<1x32xi32, #tpu.memory_space<hbm>>
      %dma_start3A_157 = tpu.memref_squeeze %dma_start3A_156 : memref<1x32xi32, #tpu.memory_space<hbm>> -> memref<32xi32, #tpu.memory_space<hbm>>
      %dma_start3A_158 = arith.constant 96 : i32
      %dma_start3A_159 = tpu.memref_slice %arg5[%dma_start3A_158] : memref<640xi32, #tpu.memory_space<vmem>> -> memref<32xi32, #tpu.memory_space<vmem>>
      %dma_start3A_160 = tpu.memref_slice %arg2[%run_scoped3A_5, %mul3A_2] : memref<20x1024xi32, #tpu.memory_space<hbm>> -> memref<1x32xi32, #tpu.memory_space<hbm>>
      %dma_start3A_161 = tpu.memref_squeeze %dma_start3A_160 : memref<1x32xi32, #tpu.memory_space<hbm>> -> memref<32xi32, #tpu.memory_space<hbm>>
      tpu.enqueue_dma source(%dma_start3A_161 : memref<32xi32, #tpu.memory_space<hbm>>) target(%dma_start3A_159 : memref<32xi32, #tpu.memory_space<vmem>>) target_semaphore(%run_scoped3A_153 : memref<!tpu.dma_semaphore, #tpu.memory_space<semaphore_mem>>)
      %dma_wait3A_162 = arith.constant 96 : i32
      %dma_wait3A_163 = tpu.memref_slice %arg5[%dma_wait3A_162] : memref<640xi32, #tpu.memory_space<vmem>> -> memref<32xi32, #tpu.memory_space<vmem>>
      %dma_wait3A_164 = tpu.memref_slice %arg2[%run_scoped3A_5, %mul3A_2] : memref<20x1024xi32, #tpu.memory_space<hbm>> -> memref<1x32xi32, #tpu.memory_space<hbm>>
      %dma_wait3A_165 = tpu.memref_squeeze %dma_wait3A_164 : memref<1x32xi32, #tpu.memory_space<hbm>> -> memref<32xi32, #tpu.memory_space<hbm>>
      %dma_wait3A_166 = arith.constant 96 : i32
      %dma_wait3A_167 = tpu.memref_slice %arg5[%dma_wait3A_166] : memref<640xi32, #tpu.memory_space<vmem>> -> memref<32xi32, #tpu.memory_space<vmem>>
      %dma_wait3A_168 = tpu.memref_slice %arg2[%run_scoped3A_5, %mul3A_2] : memref<20x1024xi32, #tpu.memory_space<hbm>> -> memref<1x32xi32, #tpu.memory_space<hbm>>
      %dma_wait3A_169 = tpu.memref_squeeze %dma_wait3A_168 : memref<1x32xi32, #tpu.memory_space<hbm>> -> memref<32xi32, #tpu.memory_space<hbm>>
      tpu.wait_dma2 semaphore(%run_scoped3A_153 : memref<!tpu.dma_semaphore, #tpu.memory_space<semaphore_mem>>) src(%dma_wait3A_169 : memref<32xi32, #tpu.memory_space<hbm>>) dst(%dma_wait3A_167 : memref<32xi32, #tpu.memory_space<vmem>>)
      tpu.yield
    }) : () -> ()
    %run_scoped3A_6 = arith.constant 4 : i32
    "tpu.region"() ({
      %run_scoped3A_153 = tpu.sem_alloc : memref<!tpu.dma_semaphore, #tpu.memory_space<semaphore_mem>>
      %dma_start3A_154 = arith.constant 128 : i32
      %dma_start3A_155 = tpu.memref_slice %arg5[%dma_start3A_154] : memref<640xi32, #tpu.memory_space<vmem>> -> memref<32xi32, #tpu.memory_space<vmem>>
      %dma_start3A_156 = tpu.memref_slice %arg2[%run_scoped3A_6, %mul3A_2] : memref<20x1024xi32, #tpu.memory_space<hbm>> -> memref<1x32xi32, #tpu.memory_space<hbm>>
      %dma_start3A_157 = tpu.memref_squeeze %dma_start3A_156 : memref<1x32xi32, #tpu.memory_space<hbm>> -> memref<32xi32, #tpu.memory_space<hbm>>
      %dma_start3A_158 = arith.constant 128 : i32
      %dma_start3A_159 = tpu.memref_slice %arg5[%dma_start3A_158] : memref<640xi32, #tpu.memory_space<vmem>> -> memref<32xi32, #tpu.memory_space<vmem>>
      %dma_start3A_160 = tpu.memref_slice %arg2[%run_scoped3A_6, %mul3A_2] : memref<20x1024xi32, #tpu.memory_space<hbm>> -> memref<1x32xi32, #tpu.memory_space<hbm>>
      %dma_start3A_161 = tpu.memref_squeeze %dma_start3A_160 : memref<1x32xi32, #tpu.memory_space<hbm>> -> memref<32xi32, #tpu.memory_space<hbm>>
      tpu.enqueue_dma source(%dma_start3A_161 : memref<32xi32, #tpu.memory_space<hbm>>) target(%dma_start3A_159 : memref<32xi32, #tpu.memory_space<vmem>>) target_semaphore(%run_scoped3A_153 : memref<!tpu.dma_semaphore, #tpu.memory_space<semaphore_mem>>)
      %dma_wait3A_162 = arith.constant 128 : i32
      %dma_wait3A_163 = tpu.memref_slice %arg5[%dma_wait3A_162] : memref<640xi32, #tpu.memory_space<vmem>> -> memref<32xi32, #tpu.memory_space<vmem>>
      %dma_wait3A_164 = tpu.memref_slice %arg2[%run_scoped3A_6, %mul3A_2] : memref<20x1024xi32, #tpu.memory_space<hbm>> -> memref<1x32xi32, #tpu.memory_space<hbm>>
      %dma_wait3A_165 = tpu.memref_squeeze %dma_wait3A_164 : memref<1x32xi32, #tpu.memory_space<hbm>> -> memref<32xi32, #tpu.memory_space<hbm>>
      %dma_wait3A_166 = arith.constant 128 : i32
      %dma_wait3A_167 = tpu.memref_slice %arg5[%dma_wait3A_166] : memref<640xi32, #tpu.memory_space<vmem>> -> memref<32xi32, #tpu.memory_space<vmem>>
      %dma_wait3A_168 = tpu.memref_slice %arg2[%run_scoped3A_6, %mul3A_2] : memref<20x1024xi32, #tpu.memory_space<hbm>> -> memref<1x32xi32, #tpu.memory_space<hbm>>
      %dma_wait3A_169 = tpu.memref_squeeze %dma_wait3A_168 : memref<1x32xi32, #tpu.memory_space<hbm>> -> memref<32xi32, #tpu.memory_space<hbm>>
      tpu.wait_dma2 semaphore(%run_scoped3A_153 : memref<!tpu.dma_semaphore, #tpu.memory_space<semaphore_mem>>) src(%dma_wait3A_169 : memref<32xi32, #tpu.memory_space<hbm>>) dst(%dma_wait3A_167 : memref<32xi32, #tpu.memory_space<vmem>>)
      tpu.yield
    }) : () -> ()
    %run_scoped3A_7 = arith.constant 5 : i32
    "tpu.region"() ({
      %run_scoped3A_153 = tpu.sem_alloc : memref<!tpu.dma_semaphore, #tpu.memory_space<semaphore_mem>>
      %dma_start3A_154 = arith.constant 160 : i32
      %dma_start3A_155 = tpu.memref_slice %arg5[%dma_start3A_154] : memref<640xi32, #tpu.memory_space<vmem>> -> memref<32xi32, #tpu.memory_space<vmem>>
      %dma_start3A_156 = tpu.memref_slice %arg2[%run_scoped3A_7, %mul3A_2] : memref<20x1024xi32, #tpu.memory_space<hbm>> -> memref<1x32xi32, #tpu.memory_space<hbm>>
      %dma_start3A_157 = tpu.memref_squeeze %dma_start3A_156 : memref<1x32xi32, #tpu.memory_space<hbm>> -> memref<32xi32, #tpu.memory_space<hbm>>
      %dma_start3A_158 = arith.constant 160 : i32
      %dma_start3A_159 = tpu.memref_slice %arg5[%dma_start3A_158] : memref<640xi32, #tpu.memory_space<vmem>> -> memref<32xi32, #tpu.memory_space<vmem>>
      %dma_start3A_160 = tpu.memref_slice %arg2[%run_scoped3A_7, %mul3A_2] : memref<20x1024xi32, #tpu.memory_space<hbm>> -> memref<1x32xi32, #tpu.memory_space<hbm>>
      %dma_start3A_161 = tpu.memref_squeeze %dma_start3A_160 : memref<1x32xi32, #tpu.memory_space<hbm>> -> memref<32xi32, #tpu.memory_space<hbm>>
      tpu.enqueue_dma source(%dma_start3A_161 : memref<32xi32, #tpu.memory_space<hbm>>) target(%dma_start3A_159 : memref<32xi32, #tpu.memory_space<vmem>>) target_semaphore(%run_scoped3A_153 : memref<!tpu.dma_semaphore, #tpu.memory_space<semaphore_mem>>)
      %dma_wait3A_162 = arith.constant 160 : i32
      %dma_wait3A_163 = tpu.memref_slice %arg5[%dma_wait3A_162] : memref<640xi32, #tpu.memory_space<vmem>> -> memref<32xi32, #tpu.memory_space<vmem>>
      %dma_wait3A_164 = tpu.memref_slice %arg2[%run_scoped3A_7, %mul3A_2] : memref<20x1024xi32, #tpu.memory_space<hbm>> -> memref<1x32xi32, #tpu.memory_space<hbm>>
      %dma_wait3A_165 = tpu.memref_squeeze %dma_wait3A_164 : memref<1x32xi32, #tpu.memory_space<hbm>> -> memref<32xi32, #tpu.memory_space<hbm>>
      %dma_wait3A_166 = arith.constant 160 : i32
      %dma_wait3A_167 = tpu.memref_slice %arg5[%dma_wait3A_166] : memref<640xi32, #tpu.memory_space<vmem>> -> memref<32xi32, #tpu.memory_space<vmem>>
      %dma_wait3A_168 = tpu.memref_slice %arg2[%run_scoped3A_7, %mul3A_2] : memref<20x1024xi32, #tpu.memory_space<hbm>> -> memref<1x32xi32, #tpu.memory_space<hbm>>
      %dma_wait3A_169 = tpu.memref_squeeze %dma_wait3A_168 : memref<1x32xi32, #tpu.memory_space<hbm>> -> memref<32xi32, #tpu.memory_space<hbm>>
      tpu.wait_dma2 semaphore(%run_scoped3A_153 : memref<!tpu.dma_semaphore, #tpu.memory_space<semaphore_mem>>) src(%dma_wait3A_169 : memref<32xi32, #tpu.memory_space<hbm>>) dst(%dma_wait3A_167 : memref<32xi32, #tpu.memory_space<vmem>>)
      tpu.yield
    }) : () -> ()
    %run_scoped3A_8 = arith.constant 6 : i32
    "tpu.region"() ({
      %run_scoped3A_153 = tpu.sem_alloc : memref<!tpu.dma_semaphore, #tpu.memory_space<semaphore_mem>>
      %dma_start3A_154 = arith.constant 192 : i32
      %dma_start3A_155 = tpu.memref_slice %arg5[%dma_start3A_154] : memref<640xi32, #tpu.memory_space<vmem>> -> memref<32xi32, #tpu.memory_space<vmem>>
      %dma_start3A_156 = tpu.memref_slice %arg2[%run_scoped3A_8, %mul3A_2] : memref<20x1024xi32, #tpu.memory_space<hbm>> -> memref<1x32xi32, #tpu.memory_space<hbm>>
      %dma_start3A_157 = tpu.memref_squeeze %dma_start3A_156 : memref<1x32xi32, #tpu.memory_space<hbm>> -> memref<32xi32, #tpu.memory_space<hbm>>
      %dma_start3A_158 = arith.constant 192 : i32
      %dma_start3A_159 = tpu.memref_slice %arg5[%dma_start3A_158] : memref<640xi32, #tpu.memory_space<vmem>> -> memref<32xi32, #tpu.memory_space<vmem>>
      %dma_start3A_160 = tpu.memref_slice %arg2[%run_scoped3A_8, %mul3A_2] : memref<20x1024xi32, #tpu.memory_space<hbm>> -> memref<1x32xi32, #tpu.memory_space<hbm>>
      %dma_start3A_161 = tpu.memref_squeeze %dma_start3A_160 : memref<1x32xi32, #tpu.memory_space<hbm>> -> memref<32xi32, #tpu.memory_space<hbm>>
      tpu.enqueue_dma source(%dma_start3A_161 : memref<32xi32, #tpu.memory_space<hbm>>) target(%dma_start3A_159 : memref<32xi32, #tpu.memory_space<vmem>>) target_semaphore(%run_scoped3A_153 : memref<!tpu.dma_semaphore, #tpu.memory_space<semaphore_mem>>)
      %dma_wait3A_162 = arith.constant 192 : i32
      %dma_wait3A_163 = tpu.memref_slice %arg5[%dma_wait3A_162] : memref<640xi32, #tpu.memory_space<vmem>> -> memref<32xi32, #tpu.memory_space<vmem>>
      %dma_wait3A_164 = tpu.memref_slice %arg2[%run_scoped3A_8, %mul3A_2] : memref<20x1024xi32, #tpu.memory_space<hbm>> -> memref<1x32xi32, #tpu.memory_space<hbm>>
      %dma_wait3A_165 = tpu.memref_squeeze %dma_wait3A_164 : memref<1x32xi32, #tpu.memory_space<hbm>> -> memref<32xi32, #tpu.memory_space<hbm>>
      %dma_wait3A_166 = arith.constant 192 : i32
      %dma_wait3A_167 = tpu.memref_slice %arg5[%dma_wait3A_166] : memref<640xi32, #tpu.memory_space<vmem>> -> memref<32xi32, #tpu.memory_space<vmem>>
      %dma_wait3A_168 = tpu.memref_slice %arg2[%run_scoped3A_8, %mul3A_2] : memref<20x1024xi32, #tpu.memory_space<hbm>> -> memref<1x32xi32, #tpu.memory_space<hbm>>
      %dma_wait3A_169 = tpu.memref_squeeze %dma_wait3A_168 : memref<1x32xi32, #tpu.memory_space<hbm>> -> memref<32xi32, #tpu.memory_space<hbm>>
      tpu.wait_dma2 semaphore(%run_scoped3A_153 : memref<!tpu.dma_semaphore, #tpu.memory_space<semaphore_mem>>) src(%dma_wait3A_169 : memref<32xi32, #tpu.memory_space<hbm>>) dst(%dma_wait3A_167 : memref<32xi32, #tpu.memory_space<vmem>>)
      tpu.yield
    }) : () -> ()
    %run_scoped3A_9 = arith.constant 7 : i32
    "tpu.region"() ({
      %run_scoped3A_153 = tpu.sem_alloc : memref<!tpu.dma_semaphore, #tpu.memory_space<semaphore_mem>>
      %dma_start3A_154 = arith.constant 224 : i32
      %dma_start3A_155 = tpu.memref_slice %arg5[%dma_start3A_154] : memref<640xi32, #tpu.memory_space<vmem>> -> memref<32xi32, #tpu.memory_space<vmem>>
      %dma_start3A_156 = tpu.memref_slice %arg2[%run_scoped3A_9, %mul3A_2] : memref<20x1024xi32, #tpu.memory_space<hbm>> -> memref<1x32xi32, #tpu.memory_space<hbm>>
      %dma_start3A_157 = tpu.memref_squeeze %dma_start3A_156 : memref<1x32xi32, #tpu.memory_space<hbm>> -> memref<32xi32, #tpu.memory_space<hbm>>
      %dma_start3A_158 = arith.constant 224 : i32
      %dma_start3A_159 = tpu.memref_slice %arg5[%dma_start3A_158] : memref<640xi32, #tpu.memory_space<vmem>> -> memref<32xi32, #tpu.memory_space<vmem>>
      %dma_start3A_160 = tpu.memref_slice %arg2[%run_scoped3A_9, %mul3A_2] : memref<20x1024xi32, #tpu.memory_space<hbm>> -> memref<1x32xi32, #tpu.memory_space<hbm>>
      %dma_start3A_161 = tpu.memref_squeeze %dma_start3A_160 : memref<1x32xi32, #tpu.memory_space<hbm>> -> memref<32xi32, #tpu.memory_space<hbm>>
      tpu.enqueue_dma source(%dma_start3A_161 : memref<32xi32, #tpu.memory_space<hbm>>) target(%dma_start3A_159 : memref<32xi32, #tpu.memory_space<vmem>>) target_semaphore(%run_scoped3A_153 : memref<!tpu.dma_semaphore, #tpu.memory_space<semaphore_mem>>)
      %dma_wait3A_162 = arith.constant 224 : i32
      %dma_wait3A_163 = tpu.memref_slice %arg5[%dma_wait3A_162] : memref<640xi32, #tpu.memory_space<vmem>> -> memref<32xi32, #tpu.memory_space<vmem>>
      %dma_wait3A_164 = tpu.memref_slice %arg2[%run_scoped3A_9, %mul3A_2] : memref<20x1024xi32, #tpu.memory_space<hbm>> -> memref<1x32xi32, #tpu.memory_space<hbm>>
      %dma_wait3A_165 = tpu.memref_squeeze %dma_wait3A_164 : memref<1x32xi32, #tpu.memory_space<hbm>> -> memref<32xi32, #tpu.memory_space<hbm>>
      %dma_wait3A_166 = arith.constant 224 : i32
      %dma_wait3A_167 = tpu.memref_slice %arg5[%dma_wait3A_166] : memref<640xi32, #tpu.memory_space<vmem>> -> memref<32xi32, #tpu.memory_space<vmem>>
      %dma_wait3A_168 = tpu.memref_slice %arg2[%run_scoped3A_9, %mul3A_2] : memref<20x1024xi32, #tpu.memory_space<hbm>> -> memref<1x32xi32, #tpu.memory_space<hbm>>
      %dma_wait3A_169 = tpu.memref_squeeze %dma_wait3A_168 : memref<1x32xi32, #tpu.memory_space<hbm>> -> memref<32xi32, #tpu.memory_space<hbm>>
      tpu.wait_dma2 semaphore(%run_scoped3A_153 : memref<!tpu.dma_semaphore, #tpu.memory_space<semaphore_mem>>) src(%dma_wait3A_169 : memref<32xi32, #tpu.memory_space<hbm>>) dst(%dma_wait3A_167 : memref<32xi32, #tpu.memory_space<vmem>>)
      tpu.yield
    }) : () -> ()
    %run_scoped3A_10 = arith.constant 8 : i32
    "tpu.region"() ({
      %run_scoped3A_153 = tpu.sem_alloc : memref<!tpu.dma_semaphore, #tpu.memory_space<semaphore_mem>>
      %dma_start3A_154 = arith.constant 256 : i32
      %dma_start3A_155 = tpu.memref_slice %arg5[%dma_start3A_154] : memref<640xi32, #tpu.memory_space<vmem>> -> memref<32xi32, #tpu.memory_space<vmem>>
      %dma_start3A_156 = tpu.memref_slice %arg2[%run_scoped3A_10, %mul3A_2] : memref<20x1024xi32, #tpu.memory_space<hbm>> -> memref<1x32xi32, #tpu.memory_space<hbm>>
      %dma_start3A_157 = tpu.memref_squeeze %dma_start3A_156 : memref<1x32xi32, #tpu.memory_space<hbm>> -> memref<32xi32, #tpu.memory_space<hbm>>
      %dma_start3A_158 = arith.constant 256 : i32
      %dma_start3A_159 = tpu.memref_slice %arg5[%dma_start3A_158] : memref<640xi32, #tpu.memory_space<vmem>> -> memref<32xi32, #tpu.memory_space<vmem>>
      %dma_start3A_160 = tpu.memref_slice %arg2[%run_scoped3A_10, %mul3A_2] : memref<20x1024xi32, #tpu.memory_space<hbm>> -> memref<1x32xi32, #tpu.memory_space<hbm>>
      %dma_start3A_161 = tpu.memref_squeeze %dma_start3A_160 : memref<1x32xi32, #tpu.memory_space<hbm>> -> memref<32xi32, #tpu.memory_space<hbm>>
      tpu.enqueue_dma source(%dma_start3A_161 : memref<32xi32, #tpu.memory_space<hbm>>) target(%dma_start3A_159 : memref<32xi32, #tpu.memory_space<vmem>>) target_semaphore(%run_scoped3A_153 : memref<!tpu.dma_semaphore, #tpu.memory_space<semaphore_mem>>)
      %dma_wait3A_162 = arith.constant 256 : i32
      %dma_wait3A_163 = tpu.memref_slice %arg5[%dma_wait3A_162] : memref<640xi32, #tpu.memory_space<vmem>> -> memref<32xi32, #tpu.memory_space<vmem>>
      %dma_wait3A_164 = tpu.memref_slice %arg2[%run_scoped3A_10, %mul3A_2] : memref<20x1024xi32, #tpu.memory_space<hbm>> -> memref<1x32xi32, #tpu.memory_space<hbm>>
      %dma_wait3A_165 = tpu.memref_squeeze %dma_wait3A_164 : memref<1x32xi32, #tpu.memory_space<hbm>> -> memref<32xi32, #tpu.memory_space<hbm>>
      %dma_wait3A_166 = arith.constant 256 : i32
      %dma_wait3A_167 = tpu.memref_slice %arg5[%dma_wait3A_166] : memref<640xi32, #tpu.memory_space<vmem>> -> memref<32xi32, #tpu.memory_space<vmem>>
      %dma_wait3A_168 = tpu.memref_slice %arg2[%run_scoped3A_10, %mul3A_2] : memref<20x1024xi32, #tpu.memory_space<hbm>> -> memref<1x32xi32, #tpu.memory_space<hbm>>
      %dma_wait3A_169 = tpu.memref_squeeze %dma_wait3A_168 : memref<1x32xi32, #tpu.memory_space<hbm>> -> memref<32xi32, #tpu.memory_space<hbm>>
      tpu.wait_dma2 semaphore(%run_scoped3A_153 : memref<!tpu.dma_semaphore, #tpu.memory_space<semaphore_mem>>) src(%dma_wait3A_169 : memref<32xi32, #tpu.memory_space<hbm>>) dst(%dma_wait3A_167 : memref<32xi32, #tpu.memory_space<vmem>>)
      tpu.yield
    }) : () -> ()
    %run_scoped3A_11 = arith.constant 9 : i32
    "tpu.region"() ({
      %run_scoped3A_153 = tpu.sem_alloc : memref<!tpu.dma_semaphore, #tpu.memory_space<semaphore_mem>>
      %dma_start3A_154 = arith.constant 288 : i32
      %dma_start3A_155 = tpu.memref_slice %arg5[%dma_start3A_154] : memref<640xi32, #tpu.memory_space<vmem>> -> memref<32xi32, #tpu.memory_space<vmem>>
      %dma_start3A_156 = tpu.memref_slice %arg2[%run_scoped3A_11, %mul3A_2] : memref<20x1024xi32, #tpu.memory_space<hbm>> -> memref<1x32xi32, #tpu.memory_space<hbm>>
      %dma_start3A_157 = tpu.memref_squeeze %dma_start3A_156 : memref<1x32xi32, #tpu.memory_space<hbm>> -> memref<32xi32, #tpu.memory_space<hbm>>
      %dma_start3A_158 = arith.constant 288 : i32
      %dma_start3A_159 = tpu.memref_slice %arg5[%dma_start3A_158] : memref<640xi32, #tpu.memory_space<vmem>> -> memref<32xi32, #tpu.memory_space<vmem>>
      %dma_start3A_160 = tpu.memref_slice %arg2[%run_scoped3A_11, %mul3A_2] : memref<20x1024xi32, #tpu.memory_space<hbm>> -> memref<1x32xi32, #tpu.memory_space<hbm>>
      %dma_start3A_161 = tpu.memref_squeeze %dma_start3A_160 : memref<1x32xi32, #tpu.memory_space<hbm>> -> memref<32xi32, #tpu.memory_space<hbm>>
      tpu.enqueue_dma source(%dma_start3A_161 : memref<32xi32, #tpu.memory_space<hbm>>) target(%dma_start3A_159 : memref<32xi32, #tpu.memory_space<vmem>>) target_semaphore(%run_scoped3A_153 : memref<!tpu.dma_semaphore, #tpu.memory_space<semaphore_mem>>)
      %dma_wait3A_162 = arith.constant 288 : i32
      %dma_wait3A_163 = tpu.memref_slice %arg5[%dma_wait3A_162] : memref<640xi32, #tpu.memory_space<vmem>> -> memref<32xi32, #tpu.memory_space<vmem>>
      %dma_wait3A_164 = tpu.memref_slice %arg2[%run_scoped3A_11, %mul3A_2] : memref<20x1024xi32, #tpu.memory_space<hbm>> -> memref<1x32xi32, #tpu.memory_space<hbm>>
      %dma_wait3A_165 = tpu.memref_squeeze %dma_wait3A_164 : memref<1x32xi32, #tpu.memory_space<hbm>> -> memref<32xi32, #tpu.memory_space<hbm>>
      %dma_wait3A_166 = arith.constant 288 : i32
      %dma_wait3A_167 = tpu.memref_slice %arg5[%dma_wait3A_166] : memref<640xi32, #tpu.memory_space<vmem>> -> memref<32xi32, #tpu.memory_space<vmem>>
      %dma_wait3A_168 = tpu.memref_slice %arg2[%run_scoped3A_11, %mul3A_2] : memref<20x1024xi32, #tpu.memory_space<hbm>> -> memref<1x32xi32, #tpu.memory_space<hbm>>
      %dma_wait3A_169 = tpu.memref_squeeze %dma_wait3A_168 : memref<1x32xi32, #tpu.memory_space<hbm>> -> memref<32xi32, #tpu.memory_space<hbm>>
      tpu.wait_dma2 semaphore(%run_scoped3A_153 : memref<!tpu.dma_semaphore, #tpu.memory_space<semaphore_mem>>) src(%dma_wait3A_169 : memref<32xi32, #tpu.memory_space<hbm>>) dst(%dma_wait3A_167 : memref<32xi32, #tpu.memory_space<vmem>>)
      tpu.yield
    }) : () -> ()
    %run_scoped3A_12 = arith.constant 10 : i32
    "tpu.region"() ({
      %run_scoped3A_153 = tpu.sem_alloc : memref<!tpu.dma_semaphore, #tpu.memory_space<semaphore_mem>>
      %dma_start3A_154 = arith.constant 320 : i32
      %dma_start3A_155 = tpu.memref_slice %arg5[%dma_start3A_154] : memref<640xi32, #tpu.memory_space<vmem>> -> memref<32xi32, #tpu.memory_space<vmem>>
      %dma_start3A_156 = tpu.memref_slice %arg2[%run_scoped3A_12, %mul3A_2] : memref<20x1024xi32, #tpu.memory_space<hbm>> -> memref<1x32xi32, #tpu.memory_space<hbm>>
      %dma_start3A_157 = tpu.memref_squeeze %dma_start3A_156 : memref<1x32xi32, #tpu.memory_space<hbm>> -> memref<32xi32, #tpu.memory_space<hbm>>
      %dma_start3A_158 = arith.constant 320 : i32
      %dma_start3A_159 = tpu.memref_slice %arg5[%dma_start3A_158] : memref<640xi32, #tpu.memory_space<vmem>> -> memref<32xi32, #tpu.memory_space<vmem>>
      %dma_start3A_160 = tpu.memref_slice %arg2[%run_scoped3A_12, %mul3A_2] : memref<20x1024xi32, #tpu.memory_space<hbm>> -> memref<1x32xi32, #tpu.memory_space<hbm>>
      %dma_start3A_161 = tpu.memref_squeeze %dma_start3A_160 : memref<1x32xi32, #tpu.memory_space<hbm>> -> memref<32xi32, #tpu.memory_space<hbm>>
      tpu.enqueue_dma source(%dma_start3A_161 : memref<32xi32, #tpu.memory_space<hbm>>) target(%dma_start3A_159 : memref<32xi32, #tpu.memory_space<vmem>>) target_semaphore(%run_scoped3A_153 : memref<!tpu.dma_semaphore, #tpu.memory_space<semaphore_mem>>)
      %dma_wait3A_162 = arith.constant 320 : i32
      %dma_wait3A_163 = tpu.memref_slice %arg5[%dma_wait3A_162] : memref<640xi32, #tpu.memory_space<vmem>> -> memref<32xi32, #tpu.memory_space<vmem>>
      %dma_wait3A_164 = tpu.memref_slice %arg2[%run_scoped3A_12, %mul3A_2] : memref<20x1024xi32, #tpu.memory_space<hbm>> -> memref<1x32xi32, #tpu.memory_space<hbm>>
      %dma_wait3A_165 = tpu.memref_squeeze %dma_wait3A_164 : memref<1x32xi32, #tpu.memory_space<hbm>> -> memref<32xi32, #tpu.memory_space<hbm>>
      %dma_wait3A_166 = arith.constant 320 : i32
      %dma_wait3A_167 = tpu.memref_slice %arg5[%dma_wait3A_166] : memref<640xi32, #tpu.memory_space<vmem>> -> memref<32xi32, #tpu.memory_space<vmem>>
      %dma_wait3A_168 = tpu.memref_slice %arg2[%run_scoped3A_12, %mul3A_2] : memref<20x1024xi32, #tpu.memory_space<hbm>> -> memref<1x32xi32, #tpu.memory_space<hbm>>
      %dma_wait3A_169 = tpu.memref_squeeze %dma_wait3A_168 : memref<1x32xi32, #tpu.memory_space<hbm>> -> memref<32xi32, #tpu.memory_space<hbm>>
      tpu.wait_dma2 semaphore(%run_scoped3A_153 : memref<!tpu.dma_semaphore, #tpu.memory_space<semaphore_mem>>) src(%dma_wait3A_169 : memref<32xi32, #tpu.memory_space<hbm>>) dst(%dma_wait3A_167 : memref<32xi32, #tpu.memory_space<vmem>>)
      tpu.yield
    }) : () -> ()
    %run_scoped3A_13 = arith.constant 11 : i32
    "tpu.region"() ({
      %run_scoped3A_153 = tpu.sem_alloc : memref<!tpu.dma_semaphore, #tpu.memory_space<semaphore_mem>>
      %dma_start3A_154 = arith.constant 352 : i32
      %dma_start3A_155 = tpu.memref_slice %arg5[%dma_start3A_154] : memref<640xi32, #tpu.memory_space<vmem>> -> memref<32xi32, #tpu.memory_space<vmem>>
      %dma_start3A_156 = tpu.memref_slice %arg2[%run_scoped3A_13, %mul3A_2] : memref<20x1024xi32, #tpu.memory_space<hbm>> -> memref<1x32xi32, #tpu.memory_space<hbm>>
      %dma_start3A_157 = tpu.memref_squeeze %dma_start3A_156 : memref<1x32xi32, #tpu.memory_space<hbm>> -> memref<32xi32, #tpu.memory_space<hbm>>
      %dma_start3A_158 = arith.constant 352 : i32
      %dma_start3A_159 = tpu.memref_slice %arg5[%dma_start3A_158] : memref<640xi32, #tpu.memory_space<vmem>> -> memref<32xi32, #tpu.memory_space<vmem>>
      %dma_start3A_160 = tpu.memref_slice %arg2[%run_scoped3A_13, %mul3A_2] : memref<20x1024xi32, #tpu.memory_space<hbm>> -> memref<1x32xi32, #tpu.memory_space<hbm>>
      %dma_start3A_161 = tpu.memref_squeeze %dma_start3A_160 : memref<1x32xi32, #tpu.memory_space<hbm>> -> memref<32xi32, #tpu.memory_space<hbm>>
      tpu.enqueue_dma source(%dma_start3A_161 : memref<32xi32, #tpu.memory_space<hbm>>) target(%dma_start3A_159 : memref<32xi32, #tpu.memory_space<vmem>>) target_semaphore(%run_scoped3A_153 : memref<!tpu.dma_semaphore, #tpu.memory_space<semaphore_mem>>)
      %dma_wait3A_162 = arith.constant 352 : i32
      %dma_wait3A_163 = tpu.memref_slice %arg5[%dma_wait3A_162] : memref<640xi32, #tpu.memory_space<vmem>> -> memref<32xi32, #tpu.memory_space<vmem>>
      %dma_wait3A_164 = tpu.memref_slice %arg2[%run_scoped3A_13, %mul3A_2] : memref<20x1024xi32, #tpu.memory_space<hbm>> -> memref<1x32xi32, #tpu.memory_space<hbm>>
      %dma_wait3A_165 = tpu.memref_squeeze %dma_wait3A_164 : memref<1x32xi32, #tpu.memory_space<hbm>> -> memref<32xi32, #tpu.memory_space<hbm>>
      %dma_wait3A_166 = arith.constant 352 : i32
      %dma_wait3A_167 = tpu.memref_slice %arg5[%dma_wait3A_166] : memref<640xi32, #tpu.memory_space<vmem>> -> memref<32xi32, #tpu.memory_space<vmem>>
      %dma_wait3A_168 = tpu.memref_slice %arg2[%run_scoped3A_13, %mul3A_2] : memref<20x1024xi32, #tpu.memory_space<hbm>> -> memref<1x32xi32, #tpu.memory_space<hbm>>
      %dma_wait3A_169 = tpu.memref_squeeze %dma_wait3A_168 : memref<1x32xi32, #tpu.memory_space<hbm>> -> memref<32xi32, #tpu.memory_space<hbm>>
      tpu.wait_dma2 semaphore(%run_scoped3A_153 : memref<!tpu.dma_semaphore, #tpu.memory_space<semaphore_mem>>) src(%dma_wait3A_169 : memref<32xi32, #tpu.memory_space<hbm>>) dst(%dma_wait3A_167 : memref<32xi32, #tpu.memory_space<vmem>>)
      tpu.yield
    }) : () -> ()
    %run_scoped3A_14 = arith.constant 12 : i32
    "tpu.region"() ({
      %run_scoped3A_153 = tpu.sem_alloc : memref<!tpu.dma_semaphore, #tpu.memory_space<semaphore_mem>>
      %dma_start3A_154 = arith.constant 384 : i32
      %dma_start3A_155 = tpu.memref_slice %arg5[%dma_start3A_154] : memref<640xi32, #tpu.memory_space<vmem>> -> memref<32xi32, #tpu.memory_space<vmem>>
      %dma_start3A_156 = tpu.memref_slice %arg2[%run_scoped3A_14, %mul3A_2] : memref<20x1024xi32, #tpu.memory_space<hbm>> -> memref<1x32xi32, #tpu.memory_space<hbm>>
      %dma_start3A_157 = tpu.memref_squeeze %dma_start3A_156 : memref<1x32xi32, #tpu.memory_space<hbm>> -> memref<32xi32, #tpu.memory_space<hbm>>
      %dma_start3A_158 = arith.constant 384 : i32
      %dma_start3A_159 = tpu.memref_slice %arg5[%dma_start3A_158] : memref<640xi32, #tpu.memory_space<vmem>> -> memref<32xi32, #tpu.memory_space<vmem>>
      %dma_start3A_160 = tpu.memref_slice %arg2[%run_scoped3A_14, %mul3A_2] : memref<20x1024xi32, #tpu.memory_space<hbm>> -> memref<1x32xi32, #tpu.memory_space<hbm>>
      %dma_start3A_161 = tpu.memref_squeeze %dma_start3A_160 : memref<1x32xi32, #tpu.memory_space<hbm>> -> memref<32xi32, #tpu.memory_space<hbm>>
      tpu.enqueue_dma source(%dma_start3A_161 : memref<32xi32, #tpu.memory_space<hbm>>) target(%dma_start3A_159 : memref<32xi32, #tpu.memory_space<vmem>>) target_semaphore(%run_scoped3A_153 : memref<!tpu.dma_semaphore, #tpu.memory_space<semaphore_mem>>)
      %dma_wait3A_162 = arith.constant 384 : i32
      %dma_wait3A_163 = tpu.memref_slice %arg5[%dma_wait3A_162] : memref<640xi32, #tpu.memory_space<vmem>> -> memref<32xi32, #tpu.memory_space<vmem>>
      %dma_wait3A_164 = tpu.memref_slice %arg2[%run_scoped3A_14, %mul3A_2] : memref<20x1024xi32, #tpu.memory_space<hbm>> -> memref<1x32xi32, #tpu.memory_space<hbm>>
      %dma_wait3A_165 = tpu.memref_squeeze %dma_wait3A_164 : memref<1x32xi32, #tpu.memory_space<hbm>> -> memref<32xi32, #tpu.memory_space<hbm>>
      %dma_wait3A_166 = arith.constant 384 : i32
      %dma_wait3A_167 = tpu.memref_slice %arg5[%dma_wait3A_166] : memref<640xi32, #tpu.memory_space<vmem>> -> memref<32xi32, #tpu.memory_space<vmem>>
      %dma_wait3A_168 = tpu.memref_slice %arg2[%run_scoped3A_14, %mul3A_2] : memref<20x1024xi32, #tpu.memory_space<hbm>> -> memref<1x32xi32, #tpu.memory_space<hbm>>
      %dma_wait3A_169 = tpu.memref_squeeze %dma_wait3A_168 : memref<1x32xi32, #tpu.memory_space<hbm>> -> memref<32xi32, #tpu.memory_space<hbm>>
      tpu.wait_dma2 semaphore(%run_scoped3A_153 : memref<!tpu.dma_semaphore, #tpu.memory_space<semaphore_mem>>) src(%dma_wait3A_169 : memref<32xi32, #tpu.memory_space<hbm>>) dst(%dma_wait3A_167 : memref<32xi32, #tpu.memory_space<vmem>>)
      tpu.yield
    }) : () -> ()
    %run_scoped3A_15 = arith.constant 13 : i32
    "tpu.region"() ({
      %run_scoped3A_153 = tpu.sem_alloc : memref<!tpu.dma_semaphore, #tpu.memory_space<semaphore_mem>>
      %dma_start3A_154 = arith.constant 416 : i32
      %dma_start3A_155 = tpu.memref_slice %arg5[%dma_start3A_154] : memref<640xi32, #tpu.memory_space<vmem>> -> memref<32xi32, #tpu.memory_space<vmem>>
      %dma_start3A_156 = tpu.memref_slice %arg2[%run_scoped3A_15, %mul3A_2] : memref<20x1024xi32, #tpu.memory_space<hbm>> -> memref<1x32xi32, #tpu.memory_space<hbm>>
      %dma_start3A_157 = tpu.memref_squeeze %dma_start3A_156 : memref<1x32xi32, #tpu.memory_space<hbm>> -> memref<32xi32, #tpu.memory_space<hbm>>
      %dma_start3A_158 = arith.constant 416 : i32
      %dma_start3A_159 = tpu.memref_slice %arg5[%dma_start3A_158] : memref<640xi32, #tpu.memory_space<vmem>> -> memref<32xi32, #tpu.memory_space<vmem>>
      %dma_start3A_160 = tpu.memref_slice %arg2[%run_scoped3A_15, %mul3A_2] : memref<20x1024xi32, #tpu.memory_space<hbm>> -> memref<1x32xi32, #tpu.memory_space<hbm>>
      %dma_start3A_161 = tpu.memref_squeeze %dma_start3A_160 : memref<1x32xi32, #tpu.memory_space<hbm>> -> memref<32xi32, #tpu.memory_space<hbm>>
      tpu.enqueue_dma source(%dma_start3A_161 : memref<32xi32, #tpu.memory_space<hbm>>) target(%dma_start3A_159 : memref<32xi32, #tpu.memory_space<vmem>>) target_semaphore(%run_scoped3A_153 : memref<!tpu.dma_semaphore, #tpu.memory_space<semaphore_mem>>)
      %dma_wait3A_162 = arith.constant 416 : i32
      %dma_wait3A_163 = tpu.memref_slice %arg5[%dma_wait3A_162] : memref<640xi32, #tpu.memory_space<vmem>> -> memref<32xi32, #tpu.memory_space<vmem>>
      %dma_wait3A_164 = tpu.memref_slice %arg2[%run_scoped3A_15, %mul3A_2] : memref<20x1024xi32, #tpu.memory_space<hbm>> -> memref<1x32xi32, #tpu.memory_space<hbm>>
      %dma_wait3A_165 = tpu.memref_squeeze %dma_wait3A_164 : memref<1x32xi32, #tpu.memory_space<hbm>> -> memref<32xi32, #tpu.memory_space<hbm>>
      %dma_wait3A_166 = arith.constant 416 : i32
      %dma_wait3A_167 = tpu.memref_slice %arg5[%dma_wait3A_166] : memref<640xi32, #tpu.memory_space<vmem>> -> memref<32xi32, #tpu.memory_space<vmem>>
      %dma_wait3A_168 = tpu.memref_slice %arg2[%run_scoped3A_15, %mul3A_2] : memref<20x1024xi32, #tpu.memory_space<hbm>> -> memref<1x32xi32, #tpu.memory_space<hbm>>
      %dma_wait3A_169 = tpu.memref_squeeze %dma_wait3A_168 : memref<1x32xi32, #tpu.memory_space<hbm>> -> memref<32xi32, #tpu.memory_space<hbm>>
      tpu.wait_dma2 semaphore(%run_scoped3A_153 : memref<!tpu.dma_semaphore, #tpu.memory_space<semaphore_mem>>) src(%dma_wait3A_169 : memref<32xi32, #tpu.memory_space<hbm>>) dst(%dma_wait3A_167 : memref<32xi32, #tpu.memory_space<vmem>>)
      tpu.yield
    }) : () -> ()
    %run_scoped3A_16 = arith.constant 14 : i32
    "tpu.region"() ({
      %run_scoped3A_153 = tpu.sem_alloc : memref<!tpu.dma_semaphore, #tpu.memory_space<semaphore_mem>>
      %dma_start3A_154 = arith.constant 448 : i32
      %dma_start3A_155 = tpu.memref_slice %arg5[%dma_start3A_154] : memref<640xi32, #tpu.memory_space<vmem>> -> memref<32xi32, #tpu.memory_space<vmem>>
      %dma_start3A_156 = tpu.memref_slice %arg2[%run_scoped3A_16, %mul3A_2] : memref<20x1024xi32, #tpu.memory_space<hbm>> -> memref<1x32xi32, #tpu.memory_space<hbm>>
      %dma_start3A_157 = tpu.memref_squeeze %dma_start3A_156 : memref<1x32xi32, #tpu.memory_space<hbm>> -> memref<32xi32, #tpu.memory_space<hbm>>
      %dma_start3A_158 = arith.constant 448 : i32
      %dma_start3A_159 = tpu.memref_slice %arg5[%dma_start3A_158] : memref<640xi32, #tpu.memory_space<vmem>> -> memref<32xi32, #tpu.memory_space<vmem>>
      %dma_start3A_160 = tpu.memref_slice %arg2[%run_scoped3A_16, %mul3A_2] : memref<20x1024xi32, #tpu.memory_space<hbm>> -> memref<1x32xi32, #tpu.memory_space<hbm>>
      %dma_start3A_161 = tpu.memref_squeeze %dma_start3A_160 : memref<1x32xi32, #tpu.memory_space<hbm>> -> memref<32xi32, #tpu.memory_space<hbm>>
      tpu.enqueue_dma source(%dma_start3A_161 : memref<32xi32, #tpu.memory_space<hbm>>) target(%dma_start3A_159 : memref<32xi32, #tpu.memory_space<vmem>>) target_semaphore(%run_scoped3A_153 : memref<!tpu.dma_semaphore, #tpu.memory_space<semaphore_mem>>)
      %dma_wait3A_162 = arith.constant 448 : i32
      %dma_wait3A_163 = tpu.memref_slice %arg5[%dma_wait3A_162] : memref<640xi32, #tpu.memory_space<vmem>> -> memref<32xi32, #tpu.memory_space<vmem>>
      %dma_wait3A_164 = tpu.memref_slice %arg2[%run_scoped3A_16, %mul3A_2] : memref<20x1024xi32, #tpu.memory_space<hbm>> -> memref<1x32xi32, #tpu.memory_space<hbm>>
      %dma_wait3A_165 = tpu.memref_squeeze %dma_wait3A_164 : memref<1x32xi32, #tpu.memory_space<hbm>> -> memref<32xi32, #tpu.memory_space<hbm>>
      %dma_wait3A_166 = arith.constant 448 : i32
      %dma_wait3A_167 = tpu.memref_slice %arg5[%dma_wait3A_166] : memref<640xi32, #tpu.memory_space<vmem>> -> memref<32xi32, #tpu.memory_space<vmem>>
      %dma_wait3A_168 = tpu.memref_slice %arg2[%run_scoped3A_16, %mul3A_2] : memref<20x1024xi32, #tpu.memory_space<hbm>> -> memref<1x32xi32, #tpu.memory_space<hbm>>
      %dma_wait3A_169 = tpu.memref_squeeze %dma_wait3A_168 : memref<1x32xi32, #tpu.memory_space<hbm>> -> memref<32xi32, #tpu.memory_space<hbm>>
      tpu.wait_dma2 semaphore(%run_scoped3A_153 : memref<!tpu.dma_semaphore, #tpu.memory_space<semaphore_mem>>) src(%dma_wait3A_169 : memref<32xi32, #tpu.memory_space<hbm>>) dst(%dma_wait3A_167 : memref<32xi32, #tpu.memory_space<vmem>>)
      tpu.yield
    }) : () -> ()
    %run_scoped3A_17 = arith.constant 15 : i32
    "tpu.region"() ({
      %run_scoped3A_153 = tpu.sem_alloc : memref<!tpu.dma_semaphore, #tpu.memory_space<semaphore_mem>>
      %dma_start3A_154 = arith.constant 480 : i32
      %dma_start3A_155 = tpu.memref_slice %arg5[%dma_start3A_154] : memref<640xi32, #tpu.memory_space<vmem>> -> memref<32xi32, #tpu.memory_space<vmem>>
      %dma_start3A_156 = tpu.memref_slice %arg2[%run_scoped3A_17, %mul3A_2] : memref<20x1024xi32, #tpu.memory_space<hbm>> -> memref<1x32xi32, #tpu.memory_space<hbm>>
      %dma_start3A_157 = tpu.memref_squeeze %dma_start3A_156 : memref<1x32xi32, #tpu.memory_space<hbm>> -> memref<32xi32, #tpu.memory_space<hbm>>
      %dma_start3A_158 = arith.constant 480 : i32
      %dma_start3A_159 = tpu.memref_slice %arg5[%dma_start3A_158] : memref<640xi32, #tpu.memory_space<vmem>> -> memref<32xi32, #tpu.memory_space<vmem>>
      %dma_start3A_160 = tpu.memref_slice %arg2[%run_scoped3A_17, %mul3A_2] : memref<20x1024xi32, #tpu.memory_space<hbm>> -> memref<1x32xi32, #tpu.memory_space<hbm>>
      %dma_start3A_161 = tpu.memref_squeeze %dma_start3A_160 : memref<1x32xi32, #tpu.memory_space<hbm>> -> memref<32xi32, #tpu.memory_space<hbm>>
      tpu.enqueue_dma source(%dma_start3A_161 : memref<32xi32, #tpu.memory_space<hbm>>) target(%dma_start3A_159 : memref<32xi32, #tpu.memory_space<vmem>>) target_semaphore(%run_scoped3A_153 : memref<!tpu.dma_semaphore, #tpu.memory_space<semaphore_mem>>)
      %dma_wait3A_162 = arith.constant 480 : i32
      %dma_wait3A_163 = tpu.memref_slice %arg5[%dma_wait3A_162] : memref<640xi32, #tpu.memory_space<vmem>> -> memref<32xi32, #tpu.memory_space<vmem>>
      %dma_wait3A_164 = tpu.memref_slice %arg2[%run_scoped3A_17, %mul3A_2] : memref<20x1024xi32, #tpu.memory_space<hbm>> -> memref<1x32xi32, #tpu.memory_space<hbm>>
      %dma_wait3A_165 = tpu.memref_squeeze %dma_wait3A_164 : memref<1x32xi32, #tpu.memory_space<hbm>> -> memref<32xi32, #tpu.memory_space<hbm>>
      %dma_wait3A_166 = arith.constant 480 : i32
      %dma_wait3A_167 = tpu.memref_slice %arg5[%dma_wait3A_166] : memref<640xi32, #tpu.memory_space<vmem>> -> memref<32xi32, #tpu.memory_space<vmem>>
      %dma_wait3A_168 = tpu.memref_slice %arg2[%run_scoped3A_17, %mul3A_2] : memref<20x1024xi32, #tpu.memory_space<hbm>> -> memref<1x32xi32, #tpu.memory_space<hbm>>
      %dma_wait3A_169 = tpu.memref_squeeze %dma_wait3A_168 : memref<1x32xi32, #tpu.memory_space<hbm>> -> memref<32xi32, #tpu.memory_space<hbm>>
      tpu.wait_dma2 semaphore(%run_scoped3A_153 : memref<!tpu.dma_semaphore, #tpu.memory_space<semaphore_mem>>) src(%dma_wait3A_169 : memref<32xi32, #tpu.memory_space<hbm>>) dst(%dma_wait3A_167 : memref<32xi32, #tpu.memory_space<vmem>>)
      tpu.yield
    }) : () -> ()
    %run_scoped3A_18 = arith.constant 16 : i32
    "tpu.region"() ({
      %run_scoped3A_153 = tpu.sem_alloc : memref<!tpu.dma_semaphore, #tpu.memory_space<semaphore_mem>>
      %dma_start3A_154 = arith.constant 512 : i32
      %dma_start3A_155 = tpu.memref_slice %arg5[%dma_start3A_154] : memref<640xi32, #tpu.memory_space<vmem>> -> memref<32xi32, #tpu.memory_space<vmem>>
      %dma_start3A_156 = tpu.memref_slice %arg2[%run_scoped3A_18, %mul3A_2] : memref<20x1024xi32, #tpu.memory_space<hbm>> -> memref<1x32xi32, #tpu.memory_space<hbm>>
      %dma_start3A_157 = tpu.memref_squeeze %dma_start3A_156 : memref<1x32xi32, #tpu.memory_space<hbm>> -> memref<32xi32, #tpu.memory_space<hbm>>
      %dma_start3A_158 = arith.constant 512 : i32
      %dma_start3A_159 = tpu.memref_slice %arg5[%dma_start3A_158] : memref<640xi32, #tpu.memory_space<vmem>> -> memref<32xi32, #tpu.memory_space<vmem>>
      %dma_start3A_160 = tpu.memref_slice %arg2[%run_scoped3A_18, %mul3A_2] : memref<20x1024xi32, #tpu.memory_space<hbm>> -> memref<1x32xi32, #tpu.memory_space<hbm>>
      %dma_start3A_161 = tpu.memref_squeeze %dma_start3A_160 : memref<1x32xi32, #tpu.memory_space<hbm>> -> memref<32xi32, #tpu.memory_space<hbm>>
      tpu.enqueue_dma source(%dma_start3A_161 : memref<32xi32, #tpu.memory_space<hbm>>) target(%dma_start3A_159 : memref<32xi32, #tpu.memory_space<vmem>>) target_semaphore(%run_scoped3A_153 : memref<!tpu.dma_semaphore, #tpu.memory_space<semaphore_mem>>)
      %dma_wait3A_162 = arith.constant 512 : i32
      %dma_wait3A_163 = tpu.memref_slice %arg5[%dma_wait3A_162] : memref<640xi32, #tpu.memory_space<vmem>> -> memref<32xi32, #tpu.memory_space<vmem>>
      %dma_wait3A_164 = tpu.memref_slice %arg2[%run_scoped3A_18, %mul3A_2] : memref<20x1024xi32, #tpu.memory_space<hbm>> -> memref<1x32xi32, #tpu.memory_space<hbm>>
      %dma_wait3A_165 = tpu.memref_squeeze %dma_wait3A_164 : memref<1x32xi32, #tpu.memory_space<hbm>> -> memref<32xi32, #tpu.memory_space<hbm>>
      %dma_wait3A_166 = arith.constant 512 : i32
      %dma_wait3A_167 = tpu.memref_slice %arg5[%dma_wait3A_166] : memref<640xi32, #tpu.memory_space<vmem>> -> memref<32xi32, #tpu.memory_space<vmem>>
      %dma_wait3A_168 = tpu.memref_slice %arg2[%run_scoped3A_18, %mul3A_2] : memref<20x1024xi32, #tpu.memory_space<hbm>> -> memref<1x32xi32, #tpu.memory_space<hbm>>
      %dma_wait3A_169 = tpu.memref_squeeze %dma_wait3A_168 : memref<1x32xi32, #tpu.memory_space<hbm>> -> memref<32xi32, #tpu.memory_space<hbm>>
      tpu.wait_dma2 semaphore(%run_scoped3A_153 : memref<!tpu.dma_semaphore, #tpu.memory_space<semaphore_mem>>) src(%dma_wait3A_169 : memref<32xi32, #tpu.memory_space<hbm>>) dst(%dma_wait3A_167 : memref<32xi32, #tpu.memory_space<vmem>>)
      tpu.yield
    }) : () -> ()
    %run_scoped3A_19 = arith.constant 17 : i32
    "tpu.region"() ({
      %run_scoped3A_153 = tpu.sem_alloc : memref<!tpu.dma_semaphore, #tpu.memory_space<semaphore_mem>>
      %dma_start3A_154 = arith.constant 544 : i32
      %dma_start3A_155 = tpu.memref_slice %arg5[%dma_start3A_154] : memref<640xi32, #tpu.memory_space<vmem>> -> memref<32xi32, #tpu.memory_space<vmem>>
      %dma_start3A_156 = tpu.memref_slice %arg2[%run_scoped3A_19, %mul3A_2] : memref<20x1024xi32, #tpu.memory_space<hbm>> -> memref<1x32xi32, #tpu.memory_space<hbm>>
      %dma_start3A_157 = tpu.memref_squeeze %dma_start3A_156 : memref<1x32xi32, #tpu.memory_space<hbm>> -> memref<32xi32, #tpu.memory_space<hbm>>
      %dma_start3A_158 = arith.constant 544 : i32
      %dma_start3A_159 = tpu.memref_slice %arg5[%dma_start3A_158] : memref<640xi32, #tpu.memory_space<vmem>> -> memref<32xi32, #tpu.memory_space<vmem>>
      %dma_start3A_160 = tpu.memref_slice %arg2[%run_scoped3A_19, %mul3A_2] : memref<20x1024xi32, #tpu.memory_space<hbm>> -> memref<1x32xi32, #tpu.memory_space<hbm>>
      %dma_start3A_161 = tpu.memref_squeeze %dma_start3A_160 : memref<1x32xi32, #tpu.memory_space<hbm>> -> memref<32xi32, #tpu.memory_space<hbm>>
      tpu.enqueue_dma source(%dma_start3A_161 : memref<32xi32, #tpu.memory_space<hbm>>) target(%dma_start3A_159 : memref<32xi32, #tpu.memory_space<vmem>>) target_semaphore(%run_scoped3A_153 : memref<!tpu.dma_semaphore, #tpu.memory_space<semaphore_mem>>)
      %dma_wait3A_162 = arith.constant 544 : i32
      %dma_wait3A_163 = tpu.memref_slice %arg5[%dma_wait3A_162] : memref<640xi32, #tpu.memory_space<vmem>> -> memref<32xi32, #tpu.memory_space<vmem>>
      %dma_wait3A_164 = tpu.memref_slice %arg2[%run_scoped3A_19, %mul3A_2] : memref<20x1024xi32, #tpu.memory_space<hbm>> -> memref<1x32xi32, #tpu.memory_space<hbm>>
      %dma_wait3A_165 = tpu.memref_squeeze %dma_wait3A_164 : memref<1x32xi32, #tpu.memory_space<hbm>> -> memref<32xi32, #tpu.memory_space<hbm>>
      %dma_wait3A_166 = arith.constant 544 : i32
      %dma_wait3A_167 = tpu.memref_slice %arg5[%dma_wait3A_166] : memref<640xi32, #tpu.memory_space<vmem>> -> memref<32xi32, #tpu.memory_space<vmem>>
      %dma_wait3A_168 = tpu.memref_slice %arg2[%run_scoped3A_19, %mul3A_2] : memref<20x1024xi32, #tpu.memory_space<hbm>> -> memref<1x32xi32, #tpu.memory_space<hbm>>
      %dma_wait3A_169 = tpu.memref_squeeze %dma_wait3A_168 : memref<1x32xi32, #tpu.memory_space<hbm>> -> memref<32xi32, #tpu.memory_space<hbm>>
      tpu.wait_dma2 semaphore(%run_scoped3A_153 : memref<!tpu.dma_semaphore, #tpu.memory_space<semaphore_mem>>) src(%dma_wait3A_169 : memref<32xi32, #tpu.memory_space<hbm>>) dst(%dma_wait3A_167 : memref<32xi32, #tpu.memory_space<vmem>>)
      tpu.yield
    }) : () -> ()
    %run_scoped3A_20 = arith.constant 18 : i32
    "tpu.region"() ({
      %run_scoped3A_153 = tpu.sem_alloc : memref<!tpu.dma_semaphore, #tpu.memory_space<semaphore_mem>>
      %dma_start3A_154 = arith.constant 576 : i32
      %dma_start3A_155 = tpu.memref_slice %arg5[%dma_start3A_154] : memref<640xi32, #tpu.memory_space<vmem>> -> memref<32xi32, #tpu.memory_space<vmem>>
      %dma_start3A_156 = tpu.memref_slice %arg2[%run_scoped3A_20, %mul3A_2] : memref<20x1024xi32, #tpu.memory_space<hbm>> -> memref<1x32xi32, #tpu.memory_space<hbm>>
      %dma_start3A_157 = tpu.memref_squeeze %dma_start3A_156 : memref<1x32xi32, #tpu.memory_space<hbm>> -> memref<32xi32, #tpu.memory_space<hbm>>
      %dma_start3A_158 = arith.constant 576 : i32
      %dma_start3A_159 = tpu.memref_slice %arg5[%dma_start3A_158] : memref<640xi32, #tpu.memory_space<vmem>> -> memref<32xi32, #tpu.memory_space<vmem>>
      %dma_start3A_160 = tpu.memref_slice %arg2[%run_scoped3A_20, %mul3A_2] : memref<20x1024xi32, #tpu.memory_space<hbm>> -> memref<1x32xi32, #tpu.memory_space<hbm>>
      %dma_start3A_161 = tpu.memref_squeeze %dma_start3A_160 : memref<1x32xi32, #tpu.memory_space<hbm>> -> memref<32xi32, #tpu.memory_space<hbm>>
      tpu.enqueue_dma source(%dma_start3A_161 : memref<32xi32, #tpu.memory_space<hbm>>) target(%dma_start3A_159 : memref<32xi32, #tpu.memory_space<vmem>>) target_semaphore(%run_scoped3A_153 : memref<!tpu.dma_semaphore, #tpu.memory_space<semaphore_mem>>)
      %dma_wait3A_162 = arith.constant 576 : i32
      %dma_wait3A_163 = tpu.memref_slice %arg5[%dma_wait3A_162] : memref<640xi32, #tpu.memory_space<vmem>> -> memref<32xi32, #tpu.memory_space<vmem>>
      %dma_wait3A_164 = tpu.memref_slice %arg2[%run_scoped3A_20, %mul3A_2] : memref<20x1024xi32, #tpu.memory_space<hbm>> -> memref<1x32xi32, #tpu.memory_space<hbm>>
      %dma_wait3A_165 = tpu.memref_squeeze %dma_wait3A_164 : memref<1x32xi32, #tpu.memory_space<hbm>> -> memref<32xi32, #tpu.memory_space<hbm>>
      %dma_wait3A_166 = arith.constant 576 : i32
      %dma_wait3A_167 = tpu.memref_slice %arg5[%dma_wait3A_166] : memref<640xi32, #tpu.memory_space<vmem>> -> memref<32xi32, #tpu.memory_space<vmem>>
      %dma_wait3A_168 = tpu.memref_slice %arg2[%run_scoped3A_20, %mul3A_2] : memref<20x1024xi32, #tpu.memory_space<hbm>> -> memref<1x32xi32, #tpu.memory_space<hbm>>
      %dma_wait3A_169 = tpu.memref_squeeze %dma_wait3A_168 : memref<1x32xi32, #tpu.memory_space<hbm>> -> memref<32xi32, #tpu.memory_space<hbm>>
      tpu.wait_dma2 semaphore(%run_scoped3A_153 : memref<!tpu.dma_semaphore, #tpu.memory_space<semaphore_mem>>) src(%dma_wait3A_169 : memref<32xi32, #tpu.memory_space<hbm>>) dst(%dma_wait3A_167 : memref<32xi32, #tpu.memory_space<vmem>>)
      tpu.yield
    }) : () -> ()
    %run_scoped3A_21 = arith.constant 19 : i32
    "tpu.region"() ({
      %run_scoped3A_153 = tpu.sem_alloc : memref<!tpu.dma_semaphore, #tpu.memory_space<semaphore_mem>>
      %dma_start3A_154 = arith.constant 608 : i32
      %dma_start3A_155 = tpu.memref_slice %arg5[%dma_start3A_154] : memref<640xi32, #tpu.memory_space<vmem>> -> memref<32xi32, #tpu.memory_space<vmem>>
      %dma_start3A_156 = tpu.memref_slice %arg2[%run_scoped3A_21, %mul3A_2] : memref<20x1024xi32, #tpu.memory_space<hbm>> -> memref<1x32xi32, #tpu.memory_space<hbm>>
      %dma_start3A_157 = tpu.memref_squeeze %dma_start3A_156 : memref<1x32xi32, #tpu.memory_space<hbm>> -> memref<32xi32, #tpu.memory_space<hbm>>
      %dma_start3A_158 = arith.constant 608 : i32
      %dma_start3A_159 = tpu.memref_slice %arg5[%dma_start3A_158] : memref<640xi32, #tpu.memory_space<vmem>> -> memref<32xi32, #tpu.memory_space<vmem>>
      %dma_start3A_160 = tpu.memref_slice %arg2[%run_scoped3A_21, %mul3A_2] : memref<20x1024xi32, #tpu.memory_space<hbm>> -> memref<1x32xi32, #tpu.memory_space<hbm>>
      %dma_start3A_161 = tpu.memref_squeeze %dma_start3A_160 : memref<1x32xi32, #tpu.memory_space<hbm>> -> memref<32xi32, #tpu.memory_space<hbm>>
      tpu.enqueue_dma source(%dma_start3A_161 : memref<32xi32, #tpu.memory_space<hbm>>) target(%dma_start3A_159 : memref<32xi32, #tpu.memory_space<vmem>>) target_semaphore(%run_scoped3A_153 : memref<!tpu.dma_semaphore, #tpu.memory_space<semaphore_mem>>)
      %dma_wait3A_162 = arith.constant 608 : i32
      %dma_wait3A_163 = tpu.memref_slice %arg5[%dma_wait3A_162] : memref<640xi32, #tpu.memory_space<vmem>> -> memref<32xi32, #tpu.memory_space<vmem>>
      %dma_wait3A_164 = tpu.memref_slice %arg2[%run_scoped3A_21, %mul3A_2] : memref<20x1024xi32, #tpu.memory_space<hbm>> -> memref<1x32xi32, #tpu.memory_space<hbm>>
      %dma_wait3A_165 = tpu.memref_squeeze %dma_wait3A_164 : memref<1x32xi32, #tpu.memory_space<hbm>> -> memref<32xi32, #tpu.memory_space<hbm>>
      %dma_wait3A_166 = arith.constant 608 : i32
      %dma_wait3A_167 = tpu.memref_slice %arg5[%dma_wait3A_166] : memref<640xi32, #tpu.memory_space<vmem>> -> memref<32xi32, #tpu.memory_space<vmem>>
      %dma_wait3A_168 = tpu.memref_slice %arg2[%run_scoped3A_21, %mul3A_2] : memref<20x1024xi32, #tpu.memory_space<hbm>> -> memref<1x32xi32, #tpu.memory_space<hbm>>
      %dma_wait3A_169 = tpu.memref_squeeze %dma_wait3A_168 : memref<1x32xi32, #tpu.memory_space<hbm>> -> memref<32xi32, #tpu.memory_space<hbm>>
      tpu.wait_dma2 semaphore(%run_scoped3A_153 : memref<!tpu.dma_semaphore, #tpu.memory_space<semaphore_mem>>) src(%dma_wait3A_169 : memref<32xi32, #tpu.memory_space<hbm>>) dst(%dma_wait3A_167 : memref<32xi32, #tpu.memory_space<vmem>>)
      tpu.yield
    }) : () -> ()
    %dma_start3A = arith.constant 0 : i32
    %dma_start3A_22 = arith.constant 0 : i32
    %dma_start3A_23 = tpu.memref_slice %arg6[%dma_start3A, %dma_start3A_22] : memref<640x64xf32, #tpu.memory_space<vmem>> -> memref<80x64xf32, #tpu.memory_space<vmem>>
    %dma_start3A_24 = arith.constant 0 : i32
    %dma_start3A_25 = tpu.memref_slice %arg5[%dma_start3A_24] : memref<640xi32, #tpu.memory_space<vmem>> -> memref<80xi32, #tpu.memory_space<vmem>>
    %dma_start3A_26 = arith.constant 0 : i32
    %dma_start3A_27 = arith.constant 0 : i32
    %dma_start3A_28 = tpu.memref_slice %arg3[%dma_start3A_26, %dma_start3A_27] : memref<100000x64xf32, #tpu.memory_space<hbm>> -> memref<100000x64xf32, #tpu.memory_space<hbm>>
    tpu.enqueue_indirect_dma source(%dma_start3A_28 : memref<100000x64xf32, #tpu.memory_space<hbm>>) target(%dma_start3A_23 : memref<80x64xf32, #tpu.memory_space<vmem>>) offsets(%dma_start3A_25 : memref<80xi32, #tpu.memory_space<vmem>>) semaphore(%arg8 : memref<!tpu.dma_semaphore, #tpu.memory_space<semaphore_mem>>)
    %dma_start3A_29 = arith.constant 80 : i32
    %dma_start3A_30 = arith.constant 0 : i32
    %dma_start3A_31 = tpu.memref_slice %arg6[%dma_start3A_29, %dma_start3A_30] : memref<640x64xf32, #tpu.memory_space<vmem>> -> memref<80x64xf32, #tpu.memory_space<vmem>>
    %dma_start3A_32 = arith.constant 80 : i32
    %dma_start3A_33 = tpu.memref_slice %arg5[%dma_start3A_32] : memref<640xi32, #tpu.memory_space<vmem>> -> memref<80xi32, #tpu.memory_space<vmem>>
    %dma_start3A_34 = arith.constant 0 : i32
    %dma_start3A_35 = arith.constant 0 : i32
    %dma_start3A_36 = tpu.memref_slice %arg3[%dma_start3A_34, %dma_start3A_35] : memref<100000x64xf32, #tpu.memory_space<hbm>> -> memref<100000x64xf32, #tpu.memory_space<hbm>>
    tpu.enqueue_indirect_dma source(%dma_start3A_36 : memref<100000x64xf32, #tpu.memory_space<hbm>>) target(%dma_start3A_31 : memref<80x64xf32, #tpu.memory_space<vmem>>) offsets(%dma_start3A_33 : memref<80xi32, #tpu.memory_space<vmem>>) semaphore(%arg8 : memref<!tpu.dma_semaphore, #tpu.memory_space<semaphore_mem>>)
    %dma_start3A_37 = arith.constant 160 : i32
    %dma_start3A_38 = arith.constant 0 : i32
    %dma_start3A_39 = tpu.memref_slice %arg6[%dma_start3A_37, %dma_start3A_38] : memref<640x64xf32, #tpu.memory_space<vmem>> -> memref<80x64xf32, #tpu.memory_space<vmem>>
    %dma_start3A_40 = arith.constant 160 : i32
    %dma_start3A_41 = tpu.memref_slice %arg5[%dma_start3A_40] : memref<640xi32, #tpu.memory_space<vmem>> -> memref<80xi32, #tpu.memory_space<vmem>>
    %dma_start3A_42 = arith.constant 0 : i32
    %dma_start3A_43 = arith.constant 0 : i32
    %dma_start3A_44 = tpu.memref_slice %arg3[%dma_start3A_42, %dma_start3A_43] : memref<100000x64xf32, #tpu.memory_space<hbm>> -> memref<100000x64xf32, #tpu.memory_space<hbm>>
    tpu.enqueue_indirect_dma source(%dma_start3A_44 : memref<100000x64xf32, #tpu.memory_space<hbm>>) target(%dma_start3A_39 : memref<80x64xf32, #tpu.memory_space<vmem>>) offsets(%dma_start3A_41 : memref<80xi32, #tpu.memory_space<vmem>>) semaphore(%arg8 : memref<!tpu.dma_semaphore, #tpu.memory_space<semaphore_mem>>)
    %dma_start3A_45 = arith.constant 240 : i32
    %dma_start3A_46 = arith.constant 0 : i32
    %dma_start3A_47 = tpu.memref_slice %arg6[%dma_start3A_45, %dma_start3A_46] : memref<640x64xf32, #tpu.memory_space<vmem>> -> memref<80x64xf32, #tpu.memory_space<vmem>>
    %dma_start3A_48 = arith.constant 240 : i32
    %dma_start3A_49 = tpu.memref_slice %arg5[%dma_start3A_48] : memref<640xi32, #tpu.memory_space<vmem>> -> memref<80xi32, #tpu.memory_space<vmem>>
    %dma_start3A_50 = arith.constant 0 : i32
    %dma_start3A_51 = arith.constant 0 : i32
    %dma_start3A_52 = tpu.memref_slice %arg3[%dma_start3A_50, %dma_start3A_51] : memref<100000x64xf32, #tpu.memory_space<hbm>> -> memref<100000x64xf32, #tpu.memory_space<hbm>>
    tpu.enqueue_indirect_dma source(%dma_start3A_52 : memref<100000x64xf32, #tpu.memory_space<hbm>>) target(%dma_start3A_47 : memref<80x64xf32, #tpu.memory_space<vmem>>) offsets(%dma_start3A_49 : memref<80xi32, #tpu.memory_space<vmem>>) semaphore(%arg8 : memref<!tpu.dma_semaphore, #tpu.memory_space<semaphore_mem>>)
    %dma_start3A_53 = arith.constant 320 : i32
    %dma_start3A_54 = arith.constant 0 : i32
    %dma_start3A_55 = tpu.memref_slice %arg6[%dma_start3A_53, %dma_start3A_54] : memref<640x64xf32, #tpu.memory_space<vmem>> -> memref<80x64xf32, #tpu.memory_space<vmem>>
    %dma_start3A_56 = arith.constant 320 : i32
    %dma_start3A_57 = tpu.memref_slice %arg5[%dma_start3A_56] : memref<640xi32, #tpu.memory_space<vmem>> -> memref<80xi32, #tpu.memory_space<vmem>>
    %dma_start3A_58 = arith.constant 0 : i32
    %dma_start3A_59 = arith.constant 0 : i32
    %dma_start3A_60 = tpu.memref_slice %arg3[%dma_start3A_58, %dma_start3A_59] : memref<100000x64xf32, #tpu.memory_space<hbm>> -> memref<100000x64xf32, #tpu.memory_space<hbm>>
    tpu.enqueue_indirect_dma source(%dma_start3A_60 : memref<100000x64xf32, #tpu.memory_space<hbm>>) target(%dma_start3A_55 : memref<80x64xf32, #tpu.memory_space<vmem>>) offsets(%dma_start3A_57 : memref<80xi32, #tpu.memory_space<vmem>>) semaphore(%arg8 : memref<!tpu.dma_semaphore, #tpu.memory_space<semaphore_mem>>)
    %dma_start3A_61 = arith.constant 400 : i32
    %dma_start3A_62 = arith.constant 0 : i32
    %dma_start3A_63 = tpu.memref_slice %arg6[%dma_start3A_61, %dma_start3A_62] : memref<640x64xf32, #tpu.memory_space<vmem>> -> memref<80x64xf32, #tpu.memory_space<vmem>>
    %dma_start3A_64 = arith.constant 400 : i32
    %dma_start3A_65 = tpu.memref_slice %arg5[%dma_start3A_64] : memref<640xi32, #tpu.memory_space<vmem>> -> memref<80xi32, #tpu.memory_space<vmem>>
    %dma_start3A_66 = arith.constant 0 : i32
    %dma_start3A_67 = arith.constant 0 : i32
    %dma_start3A_68 = tpu.memref_slice %arg3[%dma_start3A_66, %dma_start3A_67] : memref<100000x64xf32, #tpu.memory_space<hbm>> -> memref<100000x64xf32, #tpu.memory_space<hbm>>
    tpu.enqueue_indirect_dma source(%dma_start3A_68 : memref<100000x64xf32, #tpu.memory_space<hbm>>) target(%dma_start3A_63 : memref<80x64xf32, #tpu.memory_space<vmem>>) offsets(%dma_start3A_65 : memref<80xi32, #tpu.memory_space<vmem>>) semaphore(%arg8 : memref<!tpu.dma_semaphore, #tpu.memory_space<semaphore_mem>>)
    %dma_start3A_69 = arith.constant 480 : i32
    %dma_start3A_70 = arith.constant 0 : i32
    %dma_start3A_71 = tpu.memref_slice %arg6[%dma_start3A_69, %dma_start3A_70] : memref<640x64xf32, #tpu.memory_space<vmem>> -> memref<80x64xf32, #tpu.memory_space<vmem>>
    %dma_start3A_72 = arith.constant 480 : i32
    %dma_start3A_73 = tpu.memref_slice %arg5[%dma_start3A_72] : memref<640xi32, #tpu.memory_space<vmem>> -> memref<80xi32, #tpu.memory_space<vmem>>
    %dma_start3A_74 = arith.constant 0 : i32
    %dma_start3A_75 = arith.constant 0 : i32
    %dma_start3A_76 = tpu.memref_slice %arg3[%dma_start3A_74, %dma_start3A_75] : memref<100000x64xf32, #tpu.memory_space<hbm>> -> memref<100000x64xf32, #tpu.memory_space<hbm>>
    tpu.enqueue_indirect_dma source(%dma_start3A_76 : memref<100000x64xf32, #tpu.memory_space<hbm>>) target(%dma_start3A_71 : memref<80x64xf32, #tpu.memory_space<vmem>>) offsets(%dma_start3A_73 : memref<80xi32, #tpu.memory_space<vmem>>) semaphore(%arg8 : memref<!tpu.dma_semaphore, #tpu.memory_space<semaphore_mem>>)
    %dma_start3A_77 = arith.constant 560 : i32
    %dma_start3A_78 = arith.constant 0 : i32
    %dma_start3A_79 = tpu.memref_slice %arg6[%dma_start3A_77, %dma_start3A_78] : memref<640x64xf32, #tpu.memory_space<vmem>> -> memref<80x64xf32, #tpu.memory_space<vmem>>
    %dma_start3A_80 = arith.constant 560 : i32
    %dma_start3A_81 = tpu.memref_slice %arg5[%dma_start3A_80] : memref<640xi32, #tpu.memory_space<vmem>> -> memref<80xi32, #tpu.memory_space<vmem>>
    %dma_start3A_82 = arith.constant 0 : i32
    %dma_start3A_83 = arith.constant 0 : i32
    %dma_start3A_84 = tpu.memref_slice %arg3[%dma_start3A_82, %dma_start3A_83] : memref<100000x64xf32, #tpu.memory_space<hbm>> -> memref<100000x64xf32, #tpu.memory_space<hbm>>
    tpu.enqueue_indirect_dma source(%dma_start3A_84 : memref<100000x64xf32, #tpu.memory_space<hbm>>) target(%dma_start3A_79 : memref<80x64xf32, #tpu.memory_space<vmem>>) offsets(%dma_start3A_81 : memref<80xi32, #tpu.memory_space<vmem>>) semaphore(%arg8 : memref<!tpu.dma_semaphore, #tpu.memory_space<semaphore_mem>>)
    %dma_wait3A = arith.constant 0 : i32
    %dma_wait3A_85 = arith.constant 0 : i32
    %dma_wait3A_86 = tpu.memref_slice %arg6[%dma_wait3A, %dma_wait3A_85] : memref<640x64xf32, #tpu.memory_space<vmem>> -> memref<80x64xf32, #tpu.memory_space<vmem>>
    %dma_wait3A_87 = arith.constant 0 : i32
    %dma_wait3A_88 = tpu.memref_slice %arg5[%dma_wait3A_87] : memref<640xi32, #tpu.memory_space<vmem>> -> memref<80xi32, #tpu.memory_space<vmem>>
    %dma_wait3A_89 = arith.constant 0 : i32
    %dma_wait3A_90 = arith.constant 0 : i32
    %dma_wait3A_91 = tpu.memref_slice %arg3[%dma_wait3A_89, %dma_wait3A_90] : memref<100000x64xf32, #tpu.memory_space<hbm>> -> memref<100000x64xf32, #tpu.memory_space<hbm>>
    tpu.wait_indirect_dma semaphore(%arg8 : memref<!tpu.dma_semaphore, #tpu.memory_space<semaphore_mem>>) src(%dma_wait3A_91 : memref<100000x64xf32, #tpu.memory_space<hbm>>) dst(%dma_wait3A_86 : memref<80x64xf32, #tpu.memory_space<vmem>>)
    %dma_wait3A_92 = arith.constant 80 : i32
    %dma_wait3A_93 = arith.constant 0 : i32
    %dma_wait3A_94 = tpu.memref_slice %arg6[%dma_wait3A_92, %dma_wait3A_93] : memref<640x64xf32, #tpu.memory_space<vmem>> -> memref<80x64xf32, #tpu.memory_space<vmem>>
    %dma_wait3A_95 = arith.constant 80 : i32
    %dma_wait3A_96 = tpu.memref_slice %arg5[%dma_wait3A_95] : memref<640xi32, #tpu.memory_space<vmem>> -> memref<80xi32, #tpu.memory_space<vmem>>
    %dma_wait3A_97 = arith.constant 0 : i32
    %dma_wait3A_98 = arith.constant 0 : i32
    %dma_wait3A_99 = tpu.memref_slice %arg3[%dma_wait3A_97, %dma_wait3A_98] : memref<100000x64xf32, #tpu.memory_space<hbm>> -> memref<100000x64xf32, #tpu.memory_space<hbm>>
    tpu.wait_indirect_dma semaphore(%arg8 : memref<!tpu.dma_semaphore, #tpu.memory_space<semaphore_mem>>) src(%dma_wait3A_99 : memref<100000x64xf32, #tpu.memory_space<hbm>>) dst(%dma_wait3A_94 : memref<80x64xf32, #tpu.memory_space<vmem>>)
    %dma_wait3A_100 = arith.constant 160 : i32
    %dma_wait3A_101 = arith.constant 0 : i32
    %dma_wait3A_102 = tpu.memref_slice %arg6[%dma_wait3A_100, %dma_wait3A_101] : memref<640x64xf32, #tpu.memory_space<vmem>> -> memref<80x64xf32, #tpu.memory_space<vmem>>
    %dma_wait3A_103 = arith.constant 160 : i32
    %dma_wait3A_104 = tpu.memref_slice %arg5[%dma_wait3A_103] : memref<640xi32, #tpu.memory_space<vmem>> -> memref<80xi32, #tpu.memory_space<vmem>>
    %dma_wait3A_105 = arith.constant 0 : i32
    %dma_wait3A_106 = arith.constant 0 : i32
    %dma_wait3A_107 = tpu.memref_slice %arg3[%dma_wait3A_105, %dma_wait3A_106] : memref<100000x64xf32, #tpu.memory_space<hbm>> -> memref<100000x64xf32, #tpu.memory_space<hbm>>
    tpu.wait_indirect_dma semaphore(%arg8 : memref<!tpu.dma_semaphore, #tpu.memory_space<semaphore_mem>>) src(%dma_wait3A_107 : memref<100000x64xf32, #tpu.memory_space<hbm>>) dst(%dma_wait3A_102 : memref<80x64xf32, #tpu.memory_space<vmem>>)
    %dma_wait3A_108 = arith.constant 240 : i32
    %dma_wait3A_109 = arith.constant 0 : i32
    %dma_wait3A_110 = tpu.memref_slice %arg6[%dma_wait3A_108, %dma_wait3A_109] : memref<640x64xf32, #tpu.memory_space<vmem>> -> memref<80x64xf32, #tpu.memory_space<vmem>>
    %dma_wait3A_111 = arith.constant 240 : i32
    %dma_wait3A_112 = tpu.memref_slice %arg5[%dma_wait3A_111] : memref<640xi32, #tpu.memory_space<vmem>> -> memref<80xi32, #tpu.memory_space<vmem>>
    %dma_wait3A_113 = arith.constant 0 : i32
    %dma_wait3A_114 = arith.constant 0 : i32
    %dma_wait3A_115 = tpu.memref_slice %arg3[%dma_wait3A_113, %dma_wait3A_114] : memref<100000x64xf32, #tpu.memory_space<hbm>> -> memref<100000x64xf32, #tpu.memory_space<hbm>>
    tpu.wait_indirect_dma semaphore(%arg8 : memref<!tpu.dma_semaphore, #tpu.memory_space<semaphore_mem>>) src(%dma_wait3A_115 : memref<100000x64xf32, #tpu.memory_space<hbm>>) dst(%dma_wait3A_110 : memref<80x64xf32, #tpu.memory_space<vmem>>)
    %dma_wait3A_116 = arith.constant 320 : i32
    %dma_wait3A_117 = arith.constant 0 : i32
    %dma_wait3A_118 = tpu.memref_slice %arg6[%dma_wait3A_116, %dma_wait3A_117] : memref<640x64xf32, #tpu.memory_space<vmem>> -> memref<80x64xf32, #tpu.memory_space<vmem>>
    %dma_wait3A_119 = arith.constant 320 : i32
    %dma_wait3A_120 = tpu.memref_slice %arg5[%dma_wait3A_119] : memref<640xi32, #tpu.memory_space<vmem>> -> memref<80xi32, #tpu.memory_space<vmem>>
    %dma_wait3A_121 = arith.constant 0 : i32
    %dma_wait3A_122 = arith.constant 0 : i32
    %dma_wait3A_123 = tpu.memref_slice %arg3[%dma_wait3A_121, %dma_wait3A_122] : memref<100000x64xf32, #tpu.memory_space<hbm>> -> memref<100000x64xf32, #tpu.memory_space<hbm>>
    tpu.wait_indirect_dma semaphore(%arg8 : memref<!tpu.dma_semaphore, #tpu.memory_space<semaphore_mem>>) src(%dma_wait3A_123 : memref<100000x64xf32, #tpu.memory_space<hbm>>) dst(%dma_wait3A_118 : memref<80x64xf32, #tpu.memory_space<vmem>>)
    %dma_wait3A_124 = arith.constant 400 : i32
    %dma_wait3A_125 = arith.constant 0 : i32
    %dma_wait3A_126 = tpu.memref_slice %arg6[%dma_wait3A_124, %dma_wait3A_125] : memref<640x64xf32, #tpu.memory_space<vmem>> -> memref<80x64xf32, #tpu.memory_space<vmem>>
    %dma_wait3A_127 = arith.constant 400 : i32
    %dma_wait3A_128 = tpu.memref_slice %arg5[%dma_wait3A_127] : memref<640xi32, #tpu.memory_space<vmem>> -> memref<80xi32, #tpu.memory_space<vmem>>
    %dma_wait3A_129 = arith.constant 0 : i32
    %dma_wait3A_130 = arith.constant 0 : i32
    %dma_wait3A_131 = tpu.memref_slice %arg3[%dma_wait3A_129, %dma_wait3A_130] : memref<100000x64xf32, #tpu.memory_space<hbm>> -> memref<100000x64xf32, #tpu.memory_space<hbm>>
    tpu.wait_indirect_dma semaphore(%arg8 : memref<!tpu.dma_semaphore, #tpu.memory_space<semaphore_mem>>) src(%dma_wait3A_131 : memref<100000x64xf32, #tpu.memory_space<hbm>>) dst(%dma_wait3A_126 : memref<80x64xf32, #tpu.memory_space<vmem>>)
    %dma_wait3A_132 = arith.constant 480 : i32
    %dma_wait3A_133 = arith.constant 0 : i32
    %dma_wait3A_134 = tpu.memref_slice %arg6[%dma_wait3A_132, %dma_wait3A_133] : memref<640x64xf32, #tpu.memory_space<vmem>> -> memref<80x64xf32, #tpu.memory_space<vmem>>
    %dma_wait3A_135 = arith.constant 480 : i32
    %dma_wait3A_136 = tpu.memref_slice %arg5[%dma_wait3A_135] : memref<640xi32, #tpu.memory_space<vmem>> -> memref<80xi32, #tpu.memory_space<vmem>>
    %dma_wait3A_137 = arith.constant 0 : i32
    %dma_wait3A_138 = arith.constant 0 : i32
    %dma_wait3A_139 = tpu.memref_slice %arg3[%dma_wait3A_137, %dma_wait3A_138] : memref<100000x64xf32, #tpu.memory_space<hbm>> -> memref<100000x64xf32, #tpu.memory_space<hbm>>
    tpu.wait_indirect_dma semaphore(%arg8 : memref<!tpu.dma_semaphore, #tpu.memory_space<semaphore_mem>>) src(%dma_wait3A_139 : memref<100000x64xf32, #tpu.memory_space<hbm>>) dst(%dma_wait3A_134 : memref<80x64xf32, #tpu.memory_space<vmem>>)
    %dma_wait3A_140 = arith.constant 560 : i32
    %dma_wait3A_141 = arith.constant 0 : i32
    %dma_wait3A_142 = tpu.memref_slice %arg6[%dma_wait3A_140, %dma_wait3A_141] : memref<640x64xf32, #tpu.memory_space<vmem>> -> memref<80x64xf32, #tpu.memory_space<vmem>>
    %dma_wait3A_143 = arith.constant 560 : i32
    %dma_wait3A_144 = tpu.memref_slice %arg5[%dma_wait3A_143] : memref<640xi32, #tpu.memory_space<vmem>> -> memref<80xi32, #tpu.memory_space<vmem>>
    %dma_wait3A_145 = arith.constant 0 : i32
    %dma_wait3A_146 = arith.constant 0 : i32
    %dma_wait3A_147 = tpu.memref_slice %arg3[%dma_wait3A_145, %dma_wait3A_146] : memref<100000x64xf32, #tpu.memory_space<hbm>> -> memref<100000x64xf32, #tpu.memory_space<hbm>>
    tpu.wait_indirect_dma semaphore(%arg8 : memref<!tpu.dma_semaphore, #tpu.memory_space<semaphore_mem>>) src(%dma_wait3A_147 : memref<100000x64xf32, #tpu.memory_space<hbm>>) dst(%dma_wait3A_142 : memref<80x64xf32, #tpu.memory_space<vmem>>)
    %scan3A = arith.constant 0 : i32
    %scan3A_148 = arith.constant 0 : i32
    %scan3A_149 = arith.constant 32 : i32
    %scan3A_150 = arith.addi %scan3A_148, %scan3A_149 : i32
    %scan3A_151 = arith.constant 1 : i32
    scf.for %scan3A_153 = %scan3A_148 to %scan3A_150 step %scan3A_151  : i32 {
      %get3A = arith.index_cast %scan3A_153 : i32 to index
      %get3A_154 = arith.constant 0 : index
      %get3A_155 = tpu.vector_load %arg6[%get3A, %get3A_154] {strides = array<i32>} : memref<640x64xf32, #tpu.memory_space<vmem>>, vector<1x16xf32>,
      %get3A_156 = vector.shape_cast %get3A_155 : vector<1x16xf32> to vector<16xf32>
      %add3A_157 = arith.constant 32 : i32
      %add3A_158 = arith.addi %add3A_157, %scan3A_153 : i32
      %get3A_159 = arith.index_cast %add3A_158 : i32 to index
      %get3A_160 = arith.constant 0 : index
      %get3A_161 = tpu.vector_load %arg6[%get3A_159, %get3A_160] {strides = array<i32>} : memref<640x64xf32, #tpu.memory_space<vmem>>, vector<1x16xf32>,
      %get3A_162 = vector.shape_cast %get3A_161 : vector<1x16xf32> to vector<16xf32>
      %add3A_163 = arith.addf %get3A_156, %get3A_162 : vector<16xf32>
      %add3A_164 = arith.constant 64 : i32
      %add3A_165 = arith.addi %add3A_164, %scan3A_153 : i32
      %get3A_166 = arith.index_cast %add3A_165 : i32 to index
      %get3A_167 = arith.constant 0 : index
      %get3A_168 = tpu.vector_load %arg6[%get3A_166, %get3A_167] {strides = array<i32>} : memref<640x64xf32, #tpu.memory_space<vmem>>, vector<1x16xf32>,
      %get3A_169 = vector.shape_cast %get3A_168 : vector<1x16xf32> to vector<16xf32>
      %add3A_170 = arith.addf %add3A_163, %get3A_169 : vector<16xf32>
      %add3A_171 = arith.constant 96 : i32
      %add3A_172 = arith.addi %add3A_171, %scan3A_153 : i32
      %get3A_173 = arith.index_cast %add3A_172 : i32 to index
      %get3A_174 = arith.constant 0 : index
      %get3A_175 = tpu.vector_load %arg6[%get3A_173, %get3A_174] {strides = array<i32>} : memref<640x64xf32, #tpu.memory_space<vmem>>, vector<1x16xf32>,
      %get3A_176 = vector.shape_cast %get3A_175 : vector<1x16xf32> to vector<16xf32>
      %add3A_177 = arith.addf %add3A_170, %get3A_176 : vector<16xf32>
      %add3A_178 = arith.constant 128 : i32
      %add3A_179 = arith.addi %add3A_178, %scan3A_153 : i32
      %get3A_180 = arith.index_cast %add3A_179 : i32 to index
      %get3A_181 = arith.constant 0 : index
      %get3A_182 = tpu.vector_load %arg6[%get3A_180, %get3A_181] {strides = array<i32>} : memref<640x64xf32, #tpu.memory_space<vmem>>, vector<1x16xf32>,
      %get3A_183 = vector.shape_cast %get3A_182 : vector<1x16xf32> to vector<16xf32>
      %add3A_184 = arith.addf %add3A_177, %get3A_183 : vector<16xf32>
      %add3A_185 = arith.constant 160 : i32
      %add3A_186 = arith.addi %add3A_185, %scan3A_153 : i32
      %get3A_187 = arith.index_cast %add3A_186 : i32 to index
      %get3A_188 = arith.constant 0 : index
      %get3A_189 = tpu.vector_load %arg6[%get3A_187, %get3A_188] {strides = array<i32>} : memref<640x64xf32, #tpu.memory_space<vmem>>, vector<1x16xf32>,
      %get3A_190 = vector.shape_cast %get3A_189 : vector<1x16xf32> to vector<16xf32>
      %add3A_191 = arith.addf %add3A_184, %get3A_190 : vector<16xf32>
      %add3A_192 = arith.constant 192 : i32
      %add3A_193 = arith.addi %add3A_192, %scan3A_153 : i32
      %get3A_194 = arith.index_cast %add3A_193 : i32 to index
      %get3A_195 = arith.constant 0 : index
      %get3A_196 = tpu.vector_load %arg6[%get3A_194, %get3A_195] {strides = array<i32>} : memref<640x64xf32, #tpu.memory_space<vmem>>, vector<1x16xf32>,
      %get3A_197 = vector.shape_cast %get3A_196 : vector<1x16xf32> to vector<16xf32>
      %add3A_198 = arith.addf %add3A_191, %get3A_197 : vector<16xf32>
      %add3A_199 = arith.constant 224 : i32
      %add3A_200 = arith.addi %add3A_199, %scan3A_153 : i32
      %get3A_201 = arith.index_cast %add3A_200 : i32 to index
      %get3A_202 = arith.constant 0 : index
      %get3A_203 = tpu.vector_load %arg6[%get3A_201, %get3A_202] {strides = array<i32>} : memref<640x64xf32, #tpu.memory_space<vmem>>, vector<1x16xf32>,
      %get3A_204 = vector.shape_cast %get3A_203 : vector<1x16xf32> to vector<16xf32>
      %add3A_205 = arith.addf %add3A_198, %get3A_204 : vector<16xf32>
      %add3A_206 = arith.constant 256 : i32
      %add3A_207 = arith.addi %add3A_206, %scan3A_153 : i32
      %get3A_208 = arith.index_cast %add3A_207 : i32 to index
      %get3A_209 = arith.constant 0 : index
      %get3A_210 = tpu.vector_load %arg6[%get3A_208, %get3A_209] {strides = array<i32>} : memref<640x64xf32, #tpu.memory_space<vmem>>, vector<1x16xf32>,
      %get3A_211 = vector.shape_cast %get3A_210 : vector<1x16xf32> to vector<16xf32>
      %add3A_212 = arith.addf %add3A_205, %get3A_211 : vector<16xf32>
      %add3A_213 = arith.constant 288 : i32
      %add3A_214 = arith.addi %add3A_213, %scan3A_153 : i32
      %get3A_215 = arith.index_cast %add3A_214 : i32 to index
      %get3A_216 = arith.constant 0 : index
      %get3A_217 = tpu.vector_load %arg6[%get3A_215, %get3A_216] {strides = array<i32>} : memref<640x64xf32, #tpu.memory_space<vmem>>, vector<1x16xf32>,
      %get3A_218 = vector.shape_cast %get3A_217 : vector<1x16xf32> to vector<16xf32>
      %add3A_219 = arith.addf %add3A_212, %get3A_218 : vector<16xf32>
      %add3A_220 = arith.constant 320 : i32
      %add3A_221 = arith.addi %add3A_220, %scan3A_153 : i32
      %get3A_222 = arith.index_cast %add3A_221 : i32 to index
      %get3A_223 = arith.constant 0 : index
      %get3A_224 = tpu.vector_load %arg6[%get3A_222, %get3A_223] {strides = array<i32>} : memref<640x64xf32, #tpu.memory_space<vmem>>, vector<1x16xf32>,
      %get3A_225 = vector.shape_cast %get3A_224 : vector<1x16xf32> to vector<16xf32>
      %add3A_226 = arith.addf %add3A_219, %get3A_225 : vector<16xf32>
      %add3A_227 = arith.constant 352 : i32
      %add3A_228 = arith.addi %add3A_227, %scan3A_153 : i32
      %get3A_229 = arith.index_cast %add3A_228 : i32 to index
      %get3A_230 = arith.constant 0 : index
      %get3A_231 = tpu.vector_load %arg6[%get3A_229, %get3A_230] {strides = array<i32>} : memref<640x64xf32, #tpu.memory_space<vmem>>, vector<1x16xf32>,
      %get3A_232 = vector.shape_cast %get3A_231 : vector<1x16xf32> to vector<16xf32>
      %add3A_233 = arith.addf %add3A_226, %get3A_232 : vector<16xf32>
      %add3A_234 = arith.constant 384 : i32
      %add3A_235 = arith.addi %add3A_234, %scan3A_153 : i32
      %get3A_236 = arith.index_cast %add3A_235 : i32 to index
      %get3A_237 = arith.constant 0 : index
      %get3A_238 = tpu.vector_load %arg6[%get3A_236, %get3A_237] {strides = array<i32>} : memref<640x64xf32, #tpu.memory_space<vmem>>, vector<1x16xf32>,
      %get3A_239 = vector.shape_cast %get3A_238 : vector<1x16xf32> to vector<16xf32>
      %add3A_240 = arith.addf %add3A_233, %get3A_239 : vector<16xf32>
      %add3A_241 = arith.constant 416 : i32
      %add3A_242 = arith.addi %add3A_241, %scan3A_153 : i32
      %get3A_243 = arith.index_cast %add3A_242 : i32 to index
      %get3A_244 = arith.constant 0 : index
      %get3A_245 = tpu.vector_load %arg6[%get3A_243, %get3A_244] {strides = array<i32>} : memref<640x64xf32, #tpu.memory_space<vmem>>, vector<1x16xf32>,
      %get3A_246 = vector.shape_cast %get3A_245 : vector<1x16xf32> to vector<16xf32>
      %add3A_247 = arith.addf %add3A_240, %get3A_246 : vector<16xf32>
      %add3A_248 = arith.constant 448 : i32
      %add3A_249 = arith.addi %add3A_248, %scan3A_153 : i32
      %get3A_250 = arith.index_cast %add3A_249 : i32 to index
      %get3A_251 = arith.constant 0 : index
      %get3A_252 = tpu.vector_load %arg6[%get3A_250, %get3A_251] {strides = array<i32>} : memref<640x64xf32, #tpu.memory_space<vmem>>, vector<1x16xf32>,
      %get3A_253 = vector.shape_cast %get3A_252 : vector<1x16xf32> to vector<16xf32>
      %add3A_254 = arith.addf %add3A_247, %get3A_253 : vector<16xf32>
      %add3A_255 = arith.constant 480 : i32
      %add3A_256 = arith.addi %add3A_255, %scan3A_153 : i32
      %get3A_257 = arith.index_cast %add3A_256 : i32 to index
      %get3A_258 = arith.constant 0 : index
      %get3A_259 = tpu.vector_load %arg6[%get3A_257, %get3A_258] {strides = array<i32>} : memref<640x64xf32, #tpu.memory_space<vmem>>, vector<1x16xf32>,
      %get3A_260 = vector.shape_cast %get3A_259 : vector<1x16xf32> to vector<16xf32>
      %add3A_261 = arith.addf %add3A_254, %get3A_260 : vector<16xf32>
      %add3A_262 = arith.constant 512 : i32
      %add3A_263 = arith.addi %add3A_262, %scan3A_153 : i32
      %get3A_264 = arith.index_cast %add3A_263 : i32 to index
      %get3A_265 = arith.constant 0 : index
      %get3A_266 = tpu.vector_load %arg6[%get3A_264, %get3A_265] {strides = array<i32>} : memref<640x64xf32, #tpu.memory_space<vmem>>, vector<1x16xf32>,
      %get3A_267 = vector.shape_cast %get3A_266 : vector<1x16xf32> to vector<16xf32>
      %add3A_268 = arith.addf %add3A_261, %get3A_267 : vector<16xf32>
      %add3A_269 = arith.constant 544 : i32
      %add3A_270 = arith.addi %add3A_269, %scan3A_153 : i32
      %get3A_271 = arith.index_cast %add3A_270 : i32 to index
      %get3A_272 = arith.constant 0 : index
      %get3A_273 = tpu.vector_load %arg6[%get3A_271, %get3A_272] {strides = array<i32>} : memref<640x64xf32, #tpu.memory_space<vmem>>, vector<1x16xf32>,
      %get3A_274 = vector.shape_cast %get3A_273 : vector<1x16xf32> to vector<16xf32>
      %add3A_275 = arith.addf %add3A_268, %get3A_274 : vector<16xf32>
      %add3A_276 = arith.constant 576 : i32
      %add3A_277 = arith.addi %add3A_276, %scan3A_153 : i32
      %get3A_278 = arith.index_cast %add3A_277 : i32 to index
      %get3A_279 = arith.constant 0 : index
      %get3A_280 = tpu.vector_load %arg6[%get3A_278, %get3A_279] {strides = array<i32>} : memref<640x64xf32, #tpu.memory_space<vmem>>, vector<1x16xf32>,
      %get3A_281 = vector.shape_cast %get3A_280 : vector<1x16xf32> to vector<16xf32>
      %add3A_282 = arith.addf %add3A_275, %get3A_281 : vector<16xf32>
      %add3A_283 = arith.constant 608 : i32
      %add3A_284 = arith.addi %add3A_283, %scan3A_153 : i32
      %get3A_285 = arith.index_cast %add3A_284 : i32 to index
      %get3A_286 = arith.constant 0 : index
      %get3A_287 = tpu.vector_load %arg6[%get3A_285, %get3A_286] {strides = array<i32>} : memref<640x64xf32, #tpu.memory_space<vmem>>, vector<1x16xf32>,
      %get3A_288 = vector.shape_cast %get3A_287 : vector<1x16xf32> to vector<16xf32>
      %add3A_289 = arith.addf %add3A_282, %get3A_288 : vector<16xf32>
      %swap3A = arith.index_cast %scan3A_153 : i32 to index
      %swap3A_290 = arith.constant 0 : index
      %swap3A_291 = tpu.vector_load %arg7[%swap3A, %swap3A_290] {strides = array<i32>} : memref<32x64xf32, #tpu.memory_space<vmem>>, vector<1x16xf32>,
      %swap3A_292 = vector.shape_cast %swap3A_291 : vector<1x16xf32> to vector<16xf32>
      %swap3A_293 = vector.shape_cast %add3A_289 : vector<16xf32> to vector<1x16xf32>
      tpu.vector_store %arg7[%swap3A, %swap3A_290], %swap3A_293 {strides = array<i32>} : memref<32x64xf32, #tpu.memory_space<vmem>>, vector<1x16xf32>,
      %get3A_294 = arith.index_cast %scan3A_153 : i32 to index
      %get3A_295 = arith.constant 16 : index
      %get3A_296 = tpu.vector_load %arg6[%get3A_294, %get3A_295] {strides = array<i32>} : memref<640x64xf32, #tpu.memory_space<vmem>>, vector<1x16xf32>,
      %get3A_297 = vector.shape_cast %get3A_296 : vector<1x16xf32> to vector<16xf32>
      %add3A_298 = arith.constant 32 : i32
      %add3A_299 = arith.addi %add3A_298, %scan3A_153 : i32
      %get3A_300 = arith.index_cast %add3A_299 : i32 to index
      %get3A_301 = arith.constant 16 : index
      %get3A_302 = tpu.vector_load %arg6[%get3A_300, %get3A_301] {strides = array<i32>} : memref<640x64xf32, #tpu.memory_space<vmem>>, vector<1x16xf32>,
      %get3A_303 = vector.shape_cast %get3A_302 : vector<1x16xf32> to vector<16xf32>
      %add3A_304 = arith.addf %get3A_297, %get3A_303 : vector<16xf32>
      %add3A_305 = arith.constant 64 : i32
      %add3A_306 = arith.addi %add3A_305, %scan3A_153 : i32
      %get3A_307 = arith.index_cast %add3A_306 : i32 to index
      %get3A_308 = arith.constant 16 : index
      %get3A_309 = tpu.vector_load %arg6[%get3A_307, %get3A_308] {strides = array<i32>} : memref<640x64xf32, #tpu.memory_space<vmem>>, vector<1x16xf32>,
      %get3A_310 = vector.shape_cast %get3A_309 : vector<1x16xf32> to vector<16xf32>
      %add3A_311 = arith.addf %add3A_304, %get3A_310 : vector<16xf32>
      %add3A_312 = arith.constant 96 : i32
      %add3A_313 = arith.addi %add3A_312, %scan3A_153 : i32
      %get3A_314 = arith.index_cast %add3A_313 : i32 to index
      %get3A_315 = arith.constant 16 : index
      %get3A_316 = tpu.vector_load %arg6[%get3A_314, %get3A_315] {strides = array<i32>} : memref<640x64xf32, #tpu.memory_space<vmem>>, vector<1x16xf32>,
      %get3A_317 = vector.shape_cast %get3A_316 : vector<1x16xf32> to vector<16xf32>
      %add3A_318 = arith.addf %add3A_311, %get3A_317 : vector<16xf32>
      %add3A_319 = arith.constant 128 : i32
      %add3A_320 = arith.addi %add3A_319, %scan3A_153 : i32
      %get3A_321 = arith.index_cast %add3A_320 : i32 to index
      %get3A_322 = arith.constant 16 : index
      %get3A_323 = tpu.vector_load %arg6[%get3A_321, %get3A_322] {strides = array<i32>} : memref<640x64xf32, #tpu.memory_space<vmem>>, vector<1x16xf32>,
      %get3A_324 = vector.shape_cast %get3A_323 : vector<1x16xf32> to vector<16xf32>
      %add3A_325 = arith.addf %add3A_318, %get3A_324 : vector<16xf32>
      %add3A_326 = arith.constant 160 : i32
      %add3A_327 = arith.addi %add3A_326, %scan3A_153 : i32
      %get3A_328 = arith.index_cast %add3A_327 : i32 to index
      %get3A_329 = arith.constant 16 : index
      %get3A_330 = tpu.vector_load %arg6[%get3A_328, %get3A_329] {strides = array<i32>} : memref<640x64xf32, #tpu.memory_space<vmem>>, vector<1x16xf32>,
      %get3A_331 = vector.shape_cast %get3A_330 : vector<1x16xf32> to vector<16xf32>
      %add3A_332 = arith.addf %add3A_325, %get3A_331 : vector<16xf32>
      %add3A_333 = arith.constant 192 : i32
      %add3A_334 = arith.addi %add3A_333, %scan3A_153 : i32
      %get3A_335 = arith.index_cast %add3A_334 : i32 to index
      %get3A_336 = arith.constant 16 : index
      %get3A_337 = tpu.vector_load %arg6[%get3A_335, %get3A_336] {strides = array<i32>} : memref<640x64xf32, #tpu.memory_space<vmem>>, vector<1x16xf32>,
      %get3A_338 = vector.shape_cast %get3A_337 : vector<1x16xf32> to vector<16xf32>
      %add3A_339 = arith.addf %add3A_332, %get3A_338 : vector<16xf32>
      %add3A_340 = arith.constant 224 : i32
      %add3A_341 = arith.addi %add3A_340, %scan3A_153 : i32
      %get3A_342 = arith.index_cast %add3A_341 : i32 to index
      %get3A_343 = arith.constant 16 : index
      %get3A_344 = tpu.vector_load %arg6[%get3A_342, %get3A_343] {strides = array<i32>} : memref<640x64xf32, #tpu.memory_space<vmem>>, vector<1x16xf32>,
      %get3A_345 = vector.shape_cast %get3A_344 : vector<1x16xf32> to vector<16xf32>
      %add3A_346 = arith.addf %add3A_339, %get3A_345 : vector<16xf32>
      %add3A_347 = arith.constant 256 : i32
      %add3A_348 = arith.addi %add3A_347, %scan3A_153 : i32
      %get3A_349 = arith.index_cast %add3A_348 : i32 to index
      %get3A_350 = arith.constant 16 : index
      %get3A_351 = tpu.vector_load %arg6[%get3A_349, %get3A_350] {strides = array<i32>} : memref<640x64xf32, #tpu.memory_space<vmem>>, vector<1x16xf32>,
      %get3A_352 = vector.shape_cast %get3A_351 : vector<1x16xf32> to vector<16xf32>
      %add3A_353 = arith.addf %add3A_346, %get3A_352 : vector<16xf32>
      %add3A_354 = arith.constant 288 : i32
      %add3A_355 = arith.addi %add3A_354, %scan3A_153 : i32
      %get3A_356 = arith.index_cast %add3A_355 : i32 to index
      %get3A_357 = arith.constant 16 : index
      %get3A_358 = tpu.vector_load %arg6[%get3A_356, %get3A_357] {strides = array<i32>} : memref<640x64xf32, #tpu.memory_space<vmem>>, vector<1x16xf32>,
      %get3A_359 = vector.shape_cast %get3A_358 : vector<1x16xf32> to vector<16xf32>
      %add3A_360 = arith.addf %add3A_353, %get3A_359 : vector<16xf32>
      %add3A_361 = arith.constant 320 : i32
      %add3A_362 = arith.addi %add3A_361, %scan3A_153 : i32
      %get3A_363 = arith.index_cast %add3A_362 : i32 to index
      %get3A_364 = arith.constant 16 : index
      %get3A_365 = tpu.vector_load %arg6[%get3A_363, %get3A_364] {strides = array<i32>} : memref<640x64xf32, #tpu.memory_space<vmem>>, vector<1x16xf32>,
      %get3A_366 = vector.shape_cast %get3A_365 : vector<1x16xf32> to vector<16xf32>
      %add3A_367 = arith.addf %add3A_360, %get3A_366 : vector<16xf32>
      %add3A_368 = arith.constant 352 : i32
      %add3A_369 = arith.addi %add3A_368, %scan3A_153 : i32
      %get3A_370 = arith.index_cast %add3A_369 : i32 to index
      %get3A_371 = arith.constant 16 : index
      %get3A_372 = tpu.vector_load %arg6[%get3A_370, %get3A_371] {strides = array<i32>} : memref<640x64xf32, #tpu.memory_space<vmem>>, vector<1x16xf32>,
      %get3A_373 = vector.shape_cast %get3A_372 : vector<1x16xf32> to vector<16xf32>
      %add3A_374 = arith.addf %add3A_367, %get3A_373 : vector<16xf32>
      %add3A_375 = arith.constant 384 : i32
      %add3A_376 = arith.addi %add3A_375, %scan3A_153 : i32
      %get3A_377 = arith.index_cast %add3A_376 : i32 to index
      %get3A_378 = arith.constant 16 : index
      %get3A_379 = tpu.vector_load %arg6[%get3A_377, %get3A_378] {strides = array<i32>} : memref<640x64xf32, #tpu.memory_space<vmem>>, vector<1x16xf32>,
      %get3A_380 = vector.shape_cast %get3A_379 : vector<1x16xf32> to vector<16xf32>
      %add3A_381 = arith.addf %add3A_374, %get3A_380 : vector<16xf32>
      %add3A_382 = arith.constant 416 : i32
      %add3A_383 = arith.addi %add3A_382, %scan3A_153 : i32
      %get3A_384 = arith.index_cast %add3A_383 : i32 to index
      %get3A_385 = arith.constant 16 : index
      %get3A_386 = tpu.vector_load %arg6[%get3A_384, %get3A_385] {strides = array<i32>} : memref<640x64xf32, #tpu.memory_space<vmem>>, vector<1x16xf32>,
      %get3A_387 = vector.shape_cast %get3A_386 : vector<1x16xf32> to vector<16xf32>
      %add3A_388 = arith.addf %add3A_381, %get3A_387 : vector<16xf32>
      %add3A_389 = arith.constant 448 : i32
      %add3A_390 = arith.addi %add3A_389, %scan3A_153 : i32
      %get3A_391 = arith.index_cast %add3A_390 : i32 to index
      %get3A_392 = arith.constant 16 : index
      %get3A_393 = tpu.vector_load %arg6[%get3A_391, %get3A_392] {strides = array<i32>} : memref<640x64xf32, #tpu.memory_space<vmem>>, vector<1x16xf32>,
      %get3A_394 = vector.shape_cast %get3A_393 : vector<1x16xf32> to vector<16xf32>
      %add3A_395 = arith.addf %add3A_388, %get3A_394 : vector<16xf32>
      %add3A_396 = arith.constant 480 : i32
      %add3A_397 = arith.addi %add3A_396, %scan3A_153 : i32
      %get3A_398 = arith.index_cast %add3A_397 : i32 to index
      %get3A_399 = arith.constant 16 : index
      %get3A_400 = tpu.vector_load %arg6[%get3A_398, %get3A_399] {strides = array<i32>} : memref<640x64xf32, #tpu.memory_space<vmem>>, vector<1x16xf32>,
      %get3A_401 = vector.shape_cast %get3A_400 : vector<1x16xf32> to vector<16xf32>
      %add3A_402 = arith.addf %add3A_395, %get3A_401 : vector<16xf32>
      %add3A_403 = arith.constant 512 : i32
      %add3A_404 = arith.addi %add3A_403, %scan3A_153 : i32
      %get3A_405 = arith.index_cast %add3A_404 : i32 to index
      %get3A_406 = arith.constant 16 : index
      %get3A_407 = tpu.vector_load %arg6[%get3A_405, %get3A_406] {strides = array<i32>} : memref<640x64xf32, #tpu.memory_space<vmem>>, vector<1x16xf32>,
      %get3A_408 = vector.shape_cast %get3A_407 : vector<1x16xf32> to vector<16xf32>
      %add3A_409 = arith.addf %add3A_402, %get3A_408 : vector<16xf32>
      %add3A_410 = arith.constant 544 : i32
      %add3A_411 = arith.addi %add3A_410, %scan3A_153 : i32
      %get3A_412 = arith.index_cast %add3A_411 : i32 to index
      %get3A_413 = arith.constant 16 : index
      %get3A_414 = tpu.vector_load %arg6[%get3A_412, %get3A_413] {strides = array<i32>} : memref<640x64xf32, #tpu.memory_space<vmem>>, vector<1x16xf32>,
      %get3A_415 = vector.shape_cast %get3A_414 : vector<1x16xf32> to vector<16xf32>
      %add3A_416 = arith.addf %add3A_409, %get3A_415 : vector<16xf32>
      %add3A_417 = arith.constant 576 : i32
      %add3A_418 = arith.addi %add3A_417, %scan3A_153 : i32
      %get3A_419 = arith.index_cast %add3A_418 : i32 to index
      %get3A_420 = arith.constant 16 : index
      %get3A_421 = tpu.vector_load %arg6[%get3A_419, %get3A_420] {strides = array<i32>} : memref<640x64xf32, #tpu.memory_space<vmem>>, vector<1x16xf32>,
      %get3A_422 = vector.shape_cast %get3A_421 : vector<1x16xf32> to vector<16xf32>
      %add3A_423 = arith.addf %add3A_416, %get3A_422 : vector<16xf32>
      %add3A_424 = arith.constant 608 : i32
      %add3A_425 = arith.addi %add3A_424, %scan3A_153 : i32
      %get3A_426 = arith.index_cast %add3A_425 : i32 to index
      %get3A_427 = arith.constant 16 : index
      %get3A_428 = tpu.vector_load %arg6[%get3A_426, %get3A_427] {strides = array<i32>} : memref<640x64xf32, #tpu.memory_space<vmem>>, vector<1x16xf32>,
      %get3A_429 = vector.shape_cast %get3A_428 : vector<1x16xf32> to vector<16xf32>
      %add3A_430 = arith.addf %add3A_423, %get3A_429 : vector<16xf32>
      %swap3A_431 = arith.index_cast %scan3A_153 : i32 to index
      %swap3A_432 = arith.constant 16 : index
      %swap3A_433 = tpu.vector_load %arg7[%swap3A_431, %swap3A_432] {strides = array<i32>} : memref<32x64xf32, #tpu.memory_space<vmem>>, vector<1x16xf32>,
      %swap3A_434 = vector.shape_cast %swap3A_433 : vector<1x16xf32> to vector<16xf32>
      %swap3A_435 = vector.shape_cast %add3A_430 : vector<16xf32> to vector<1x16xf32>
      tpu.vector_store %arg7[%swap3A_431, %swap3A_432], %swap3A_435 {strides = array<i32>} : memref<32x64xf32, #tpu.memory_space<vmem>>, vector<1x16xf32>,
      %get3A_436 = arith.index_cast %scan3A_153 : i32 to index
      %get3A_437 = arith.constant 32 : index
      %get3A_438 = tpu.vector_load %arg6[%get3A_436, %get3A_437] {strides = array<i32>} : memref<640x64xf32, #tpu.memory_space<vmem>>, vector<1x16xf32>,
      %get3A_439 = vector.shape_cast %get3A_438 : vector<1x16xf32> to vector<16xf32>
      %add3A_440 = arith.constant 32 : i32
      %add3A_441 = arith.addi %add3A_440, %scan3A_153 : i32
      %get3A_442 = arith.index_cast %add3A_441 : i32 to index
      %get3A_443 = arith.constant 32 : index
      %get3A_444 = tpu.vector_load %arg6[%get3A_442, %get3A_443] {strides = array<i32>} : memref<640x64xf32, #tpu.memory_space<vmem>>, vector<1x16xf32>,
      %get3A_445 = vector.shape_cast %get3A_444 : vector<1x16xf32> to vector<16xf32>
      %add3A_446 = arith.addf %get3A_439, %get3A_445 : vector<16xf32>
      %add3A_447 = arith.constant 64 : i32
      %add3A_448 = arith.addi %add3A_447, %scan3A_153 : i32
      %get3A_449 = arith.index_cast %add3A_448 : i32 to index
      %get3A_450 = arith.constant 32 : index
      %get3A_451 = tpu.vector_load %arg6[%get3A_449, %get3A_450] {strides = array<i32>} : memref<640x64xf32, #tpu.memory_space<vmem>>, vector<1x16xf32>,
      %get3A_452 = vector.shape_cast %get3A_451 : vector<1x16xf32> to vector<16xf32>
      %add3A_453 = arith.addf %add3A_446, %get3A_452 : vector<16xf32>
      %add3A_454 = arith.constant 96 : i32
      %add3A_455 = arith.addi %add3A_454, %scan3A_153 : i32
      %get3A_456 = arith.index_cast %add3A_455 : i32 to index
      %get3A_457 = arith.constant 32 : index
      %get3A_458 = tpu.vector_load %arg6[%get3A_456, %get3A_457] {strides = array<i32>} : memref<640x64xf32, #tpu.memory_space<vmem>>, vector<1x16xf32>,
      %get3A_459 = vector.shape_cast %get3A_458 : vector<1x16xf32> to vector<16xf32>
      %add3A_460 = arith.addf %add3A_453, %get3A_459 : vector<16xf32>
      %add3A_461 = arith.constant 128 : i32
      %add3A_462 = arith.addi %add3A_461, %scan3A_153 : i32
      %get3A_463 = arith.index_cast %add3A_462 : i32 to index
      %get3A_464 = arith.constant 32 : index
      %get3A_465 = tpu.vector_load %arg6[%get3A_463, %get3A_464] {strides = array<i32>} : memref<640x64xf32, #tpu.memory_space<vmem>>, vector<1x16xf32>,
      %get3A_466 = vector.shape_cast %get3A_465 : vector<1x16xf32> to vector<16xf32>
      %add3A_467 = arith.addf %add3A_460, %get3A_466 : vector<16xf32>
      %add3A_468 = arith.constant 160 : i32
      %add3A_469 = arith.addi %add3A_468, %scan3A_153 : i32
      %get3A_470 = arith.index_cast %add3A_469 : i32 to index
      %get3A_471 = arith.constant 32 : index
      %get3A_472 = tpu.vector_load %arg6[%get3A_470, %get3A_471] {strides = array<i32>} : memref<640x64xf32, #tpu.memory_space<vmem>>, vector<1x16xf32>,
      %get3A_473 = vector.shape_cast %get3A_472 : vector<1x16xf32> to vector<16xf32>
      %add3A_474 = arith.addf %add3A_467, %get3A_473 : vector<16xf32>
      %add3A_475 = arith.constant 192 : i32
      %add3A_476 = arith.addi %add3A_475, %scan3A_153 : i32
      %get3A_477 = arith.index_cast %add3A_476 : i32 to index
      %get3A_478 = arith.constant 32 : index
      %get3A_479 = tpu.vector_load %arg6[%get3A_477, %get3A_478] {strides = array<i32>} : memref<640x64xf32, #tpu.memory_space<vmem>>, vector<1x16xf32>,
      %get3A_480 = vector.shape_cast %get3A_479 : vector<1x16xf32> to vector<16xf32>
      %add3A_481 = arith.addf %add3A_474, %get3A_480 : vector<16xf32>
      %add3A_482 = arith.constant 224 : i32
      %add3A_483 = arith.addi %add3A_482, %scan3A_153 : i32
      %get3A_484 = arith.index_cast %add3A_483 : i32 to index
      %get3A_485 = arith.constant 32 : index
      %get3A_486 = tpu.vector_load %arg6[%get3A_484, %get3A_485] {strides = array<i32>} : memref<640x64xf32, #tpu.memory_space<vmem>>, vector<1x16xf32>,
      %get3A_487 = vector.shape_cast %get3A_486 : vector<1x16xf32> to vector<16xf32>
      %add3A_488 = arith.addf %add3A_481, %get3A_487 : vector<16xf32>
      %add3A_489 = arith.constant 256 : i32
      %add3A_490 = arith.addi %add3A_489, %scan3A_153 : i32
      %get3A_491 = arith.index_cast %add3A_490 : i32 to index
      %get3A_492 = arith.constant 32 : index
      %get3A_493 = tpu.vector_load %arg6[%get3A_491, %get3A_492] {strides = array<i32>} : memref<640x64xf32, #tpu.memory_space<vmem>>, vector<1x16xf32>,
      %get3A_494 = vector.shape_cast %get3A_493 : vector<1x16xf32> to vector<16xf32>
      %add3A_495 = arith.addf %add3A_488, %get3A_494 : vector<16xf32>
      %add3A_496 = arith.constant 288 : i32
      %add3A_497 = arith.addi %add3A_496, %scan3A_153 : i32
      %get3A_498 = arith.index_cast %add3A_497 : i32 to index
      %get3A_499 = arith.constant 32 : index
      %get3A_500 = tpu.vector_load %arg6[%get3A_498, %get3A_499] {strides = array<i32>} : memref<640x64xf32, #tpu.memory_space<vmem>>, vector<1x16xf32>,
      %get3A_501 = vector.shape_cast %get3A_500 : vector<1x16xf32> to vector<16xf32>
      %add3A_502 = arith.addf %add3A_495, %get3A_501 : vector<16xf32>
      %add3A_503 = arith.constant 320 : i32
      %add3A_504 = arith.addi %add3A_503, %scan3A_153 : i32
      %get3A_505 = arith.index_cast %add3A_504 : i32 to index
      %get3A_506 = arith.constant 32 : index
      %get3A_507 = tpu.vector_load %arg6[%get3A_505, %get3A_506] {strides = array<i32>} : memref<640x64xf32, #tpu.memory_space<vmem>>, vector<1x16xf32>,
      %get3A_508 = vector.shape_cast %get3A_507 : vector<1x16xf32> to vector<16xf32>
      %add3A_509 = arith.addf %add3A_502, %get3A_508 : vector<16xf32>
      %add3A_510 = arith.constant 352 : i32
      %add3A_511 = arith.addi %add3A_510, %scan3A_153 : i32
      %get3A_512 = arith.index_cast %add3A_511 : i32 to index
      %get3A_513 = arith.constant 32 : index
      %get3A_514 = tpu.vector_load %arg6[%get3A_512, %get3A_513] {strides = array<i32>} : memref<640x64xf32, #tpu.memory_space<vmem>>, vector<1x16xf32>,
      %get3A_515 = vector.shape_cast %get3A_514 : vector<1x16xf32> to vector<16xf32>
      %add3A_516 = arith.addf %add3A_509, %get3A_515 : vector<16xf32>
      %add3A_517 = arith.constant 384 : i32
      %add3A_518 = arith.addi %add3A_517, %scan3A_153 : i32
      %get3A_519 = arith.index_cast %add3A_518 : i32 to index
      %get3A_520 = arith.constant 32 : index
      %get3A_521 = tpu.vector_load %arg6[%get3A_519, %get3A_520] {strides = array<i32>} : memref<640x64xf32, #tpu.memory_space<vmem>>, vector<1x16xf32>,
      %get3A_522 = vector.shape_cast %get3A_521 : vector<1x16xf32> to vector<16xf32>
      %add3A_523 = arith.addf %add3A_516, %get3A_522 : vector<16xf32>
      %add3A_524 = arith.constant 416 : i32
      %add3A_525 = arith.addi %add3A_524, %scan3A_153 : i32
      %get3A_526 = arith.index_cast %add3A_525 : i32 to index
      %get3A_527 = arith.constant 32 : index
      %get3A_528 = tpu.vector_load %arg6[%get3A_526, %get3A_527] {strides = array<i32>} : memref<640x64xf32, #tpu.memory_space<vmem>>, vector<1x16xf32>,
      %get3A_529 = vector.shape_cast %get3A_528 : vector<1x16xf32> to vector<16xf32>
      %add3A_530 = arith.addf %add3A_523, %get3A_529 : vector<16xf32>
      %add3A_531 = arith.constant 448 : i32
      %add3A_532 = arith.addi %add3A_531, %scan3A_153 : i32
      %get3A_533 = arith.index_cast %add3A_532 : i32 to index
      %get3A_534 = arith.constant 32 : index
      %get3A_535 = tpu.vector_load %arg6[%get3A_533, %get3A_534] {strides = array<i32>} : memref<640x64xf32, #tpu.memory_space<vmem>>, vector<1x16xf32>,
      %get3A_536 = vector.shape_cast %get3A_535 : vector<1x16xf32> to vector<16xf32>
      %add3A_537 = arith.addf %add3A_530, %get3A_536 : vector<16xf32>
      %add3A_538 = arith.constant 480 : i32
      %add3A_539 = arith.addi %add3A_538, %scan3A_153 : i32
      %get3A_540 = arith.index_cast %add3A_539 : i32 to index
      %get3A_541 = arith.constant 32 : index
      %get3A_542 = tpu.vector_load %arg6[%get3A_540, %get3A_541] {strides = array<i32>} : memref<640x64xf32, #tpu.memory_space<vmem>>, vector<1x16xf32>,
      %get3A_543 = vector.shape_cast %get3A_542 : vector<1x16xf32> to vector<16xf32>
      %add3A_544 = arith.addf %add3A_537, %get3A_543 : vector<16xf32>
      %add3A_545 = arith.constant 512 : i32
      %add3A_546 = arith.addi %add3A_545, %scan3A_153 : i32
      %get3A_547 = arith.index_cast %add3A_546 : i32 to index
      %get3A_548 = arith.constant 32 : index
      %get3A_549 = tpu.vector_load %arg6[%get3A_547, %get3A_548] {strides = array<i32>} : memref<640x64xf32, #tpu.memory_space<vmem>>, vector<1x16xf32>,
      %get3A_550 = vector.shape_cast %get3A_549 : vector<1x16xf32> to vector<16xf32>
      %add3A_551 = arith.addf %add3A_544, %get3A_550 : vector<16xf32>
      %add3A_552 = arith.constant 544 : i32
      %add3A_553 = arith.addi %add3A_552, %scan3A_153 : i32
      %get3A_554 = arith.index_cast %add3A_553 : i32 to index
      %get3A_555 = arith.constant 32 : index
      %get3A_556 = tpu.vector_load %arg6[%get3A_554, %get3A_555] {strides = array<i32>} : memref<640x64xf32, #tpu.memory_space<vmem>>, vector<1x16xf32>,
      %get3A_557 = vector.shape_cast %get3A_556 : vector<1x16xf32> to vector<16xf32>
      %add3A_558 = arith.addf %add3A_551, %get3A_557 : vector<16xf32>
      %add3A_559 = arith.constant 576 : i32
      %add3A_560 = arith.addi %add3A_559, %scan3A_153 : i32
      %get3A_561 = arith.index_cast %add3A_560 : i32 to index
      %get3A_562 = arith.constant 32 : index
      %get3A_563 = tpu.vector_load %arg6[%get3A_561, %get3A_562] {strides = array<i32>} : memref<640x64xf32, #tpu.memory_space<vmem>>, vector<1x16xf32>,
      %get3A_564 = vector.shape_cast %get3A_563 : vector<1x16xf32> to vector<16xf32>
      %add3A_565 = arith.addf %add3A_558, %get3A_564 : vector<16xf32>
      %add3A_566 = arith.constant 608 : i32
      %add3A_567 = arith.addi %add3A_566, %scan3A_153 : i32
      %get3A_568 = arith.index_cast %add3A_567 : i32 to index
      %get3A_569 = arith.constant 32 : index
      %get3A_570 = tpu.vector_load %arg6[%get3A_568, %get3A_569] {strides = array<i32>} : memref<640x64xf32, #tpu.memory_space<vmem>>, vector<1x16xf32>,
      %get3A_571 = vector.shape_cast %get3A_570 : vector<1x16xf32> to vector<16xf32>
      %add3A_572 = arith.addf %add3A_565, %get3A_571 : vector<16xf32>
      %swap3A_573 = arith.index_cast %scan3A_153 : i32 to index
      %swap3A_574 = arith.constant 32 : index
      %swap3A_575 = tpu.vector_load %arg7[%swap3A_573, %swap3A_574] {strides = array<i32>} : memref<32x64xf32, #tpu.memory_space<vmem>>, vector<1x16xf32>,
      %swap3A_576 = vector.shape_cast %swap3A_575 : vector<1x16xf32> to vector<16xf32>
      %swap3A_577 = vector.shape_cast %add3A_572 : vector<16xf32> to vector<1x16xf32>
      tpu.vector_store %arg7[%swap3A_573, %swap3A_574], %swap3A_577 {strides = array<i32>} : memref<32x64xf32, #tpu.memory_space<vmem>>, vector<1x16xf32>,
      %get3A_578 = arith.index_cast %scan3A_153 : i32 to index
      %get3A_579 = arith.constant 48 : index
      %get3A_580 = tpu.vector_load %arg6[%get3A_578, %get3A_579] {strides = array<i32>} : memref<640x64xf32, #tpu.memory_space<vmem>>, vector<1x16xf32>,
      %get3A_581 = vector.shape_cast %get3A_580 : vector<1x16xf32> to vector<16xf32>
      %add3A_582 = arith.constant 32 : i32
      %add3A_583 = arith.addi %add3A_582, %scan3A_153 : i32
      %get3A_584 = arith.index_cast %add3A_583 : i32 to index
      %get3A_585 = arith.constant 48 : index
      %get3A_586 = tpu.vector_load %arg6[%get3A_584, %get3A_585] {strides = array<i32>} : memref<640x64xf32, #tpu.memory_space<vmem>>, vector<1x16xf32>,
      %get3A_587 = vector.shape_cast %get3A_586 : vector<1x16xf32> to vector<16xf32>
      %add3A_588 = arith.addf %get3A_581, %get3A_587 : vector<16xf32>
      %add3A_589 = arith.constant 64 : i32
      %add3A_590 = arith.addi %add3A_589, %scan3A_153 : i32
      %get3A_591 = arith.index_cast %add3A_590 : i32 to index
      %get3A_592 = arith.constant 48 : index
      %get3A_593 = tpu.vector_load %arg6[%get3A_591, %get3A_592] {strides = array<i32>} : memref<640x64xf32, #tpu.memory_space<vmem>>, vector<1x16xf32>,
      %get3A_594 = vector.shape_cast %get3A_593 : vector<1x16xf32> to vector<16xf32>
      %add3A_595 = arith.addf %add3A_588, %get3A_594 : vector<16xf32>
      %add3A_596 = arith.constant 96 : i32
      %add3A_597 = arith.addi %add3A_596, %scan3A_153 : i32
      %get3A_598 = arith.index_cast %add3A_597 : i32 to index
      %get3A_599 = arith.constant 48 : index
      %get3A_600 = tpu.vector_load %arg6[%get3A_598, %get3A_599] {strides = array<i32>} : memref<640x64xf32, #tpu.memory_space<vmem>>, vector<1x16xf32>,
      %get3A_601 = vector.shape_cast %get3A_600 : vector<1x16xf32> to vector<16xf32>
      %add3A_602 = arith.addf %add3A_595, %get3A_601 : vector<16xf32>
      %add3A_603 = arith.constant 128 : i32
      %add3A_604 = arith.addi %add3A_603, %scan3A_153 : i32
      %get3A_605 = arith.index_cast %add3A_604 : i32 to index
      %get3A_606 = arith.constant 48 : index
      %get3A_607 = tpu.vector_load %arg6[%get3A_605, %get3A_606] {strides = array<i32>} : memref<640x64xf32, #tpu.memory_space<vmem>>, vector<1x16xf32>,
      %get3A_608 = vector.shape_cast %get3A_607 : vector<1x16xf32> to vector<16xf32>
      %add3A_609 = arith.addf %add3A_602, %get3A_608 : vector<16xf32>
      %add3A_610 = arith.constant 160 : i32
      %add3A_611 = arith.addi %add3A_610, %scan3A_153 : i32
      %get3A_612 = arith.index_cast %add3A_611 : i32 to index
      %get3A_613 = arith.constant 48 : index
      %get3A_614 = tpu.vector_load %arg6[%get3A_612, %get3A_613] {strides = array<i32>} : memref<640x64xf32, #tpu.memory_space<vmem>>, vector<1x16xf32>,
      %get3A_615 = vector.shape_cast %get3A_614 : vector<1x16xf32> to vector<16xf32>
      %add3A_616 = arith.addf %add3A_609, %get3A_615 : vector<16xf32>
      %add3A_617 = arith.constant 192 : i32
      %add3A_618 = arith.addi %add3A_617, %scan3A_153 : i32
      %get3A_619 = arith.index_cast %add3A_618 : i32 to index
      %get3A_620 = arith.constant 48 : index
      %get3A_621 = tpu.vector_load %arg6[%get3A_619, %get3A_620] {strides = array<i32>} : memref<640x64xf32, #tpu.memory_space<vmem>>, vector<1x16xf32>,
      %get3A_622 = vector.shape_cast %get3A_621 : vector<1x16xf32> to vector<16xf32>
      %add3A_623 = arith.addf %add3A_616, %get3A_622 : vector<16xf32>
      %add3A_624 = arith.constant 224 : i32
      %add3A_625 = arith.addi %add3A_624, %scan3A_153 : i32
      %get3A_626 = arith.index_cast %add3A_625 : i32 to index
      %get3A_627 = arith.constant 48 : index
      %get3A_628 = tpu.vector_load %arg6[%get3A_626, %get3A_627] {strides = array<i32>} : memref<640x64xf32, #tpu.memory_space<vmem>>, vector<1x16xf32>,
      %get3A_629 = vector.shape_cast %get3A_628 : vector<1x16xf32> to vector<16xf32>
      %add3A_630 = arith.addf %add3A_623, %get3A_629 : vector<16xf32>
      %add3A_631 = arith.constant 256 : i32
      %add3A_632 = arith.addi %add3A_631, %scan3A_153 : i32
      %get3A_633 = arith.index_cast %add3A_632 : i32 to index
      %get3A_634 = arith.constant 48 : index
      %get3A_635 = tpu.vector_load %arg6[%get3A_633, %get3A_634] {strides = array<i32>} : memref<640x64xf32, #tpu.memory_space<vmem>>, vector<1x16xf32>,
      %get3A_636 = vector.shape_cast %get3A_635 : vector<1x16xf32> to vector<16xf32>
      %add3A_637 = arith.addf %add3A_630, %get3A_636 : vector<16xf32>
      %add3A_638 = arith.constant 288 : i32
      %add3A_639 = arith.addi %add3A_638, %scan3A_153 : i32
      %get3A_640 = arith.index_cast %add3A_639 : i32 to index
      %get3A_641 = arith.constant 48 : index
      %get3A_642 = tpu.vector_load %arg6[%get3A_640, %get3A_641] {strides = array<i32>} : memref<640x64xf32, #tpu.memory_space<vmem>>, vector<1x16xf32>,
      %get3A_643 = vector.shape_cast %get3A_642 : vector<1x16xf32> to vector<16xf32>
      %add3A_644 = arith.addf %add3A_637, %get3A_643 : vector<16xf32>
      %add3A_645 = arith.constant 320 : i32
      %add3A_646 = arith.addi %add3A_645, %scan3A_153 : i32
      %get3A_647 = arith.index_cast %add3A_646 : i32 to index
      %get3A_648 = arith.constant 48 : index
      %get3A_649 = tpu.vector_load %arg6[%get3A_647, %get3A_648] {strides = array<i32>} : memref<640x64xf32, #tpu.memory_space<vmem>>, vector<1x16xf32>,
      %get3A_650 = vector.shape_cast %get3A_649 : vector<1x16xf32> to vector<16xf32>
      %add3A_651 = arith.addf %add3A_644, %get3A_650 : vector<16xf32>
      %add3A_652 = arith.constant 352 : i32
      %add3A_653 = arith.addi %add3A_652, %scan3A_153 : i32
      %get3A_654 = arith.index_cast %add3A_653 : i32 to index
      %get3A_655 = arith.constant 48 : index
      %get3A_656 = tpu.vector_load %arg6[%get3A_654, %get3A_655] {strides = array<i32>} : memref<640x64xf32, #tpu.memory_space<vmem>>, vector<1x16xf32>,
      %get3A_657 = vector.shape_cast %get3A_656 : vector<1x16xf32> to vector<16xf32>
      %add3A_658 = arith.addf %add3A_651, %get3A_657 : vector<16xf32>
      %add3A_659 = arith.constant 384 : i32
      %add3A_660 = arith.addi %add3A_659, %scan3A_153 : i32
      %get3A_661 = arith.index_cast %add3A_660 : i32 to index
      %get3A_662 = arith.constant 48 : index
      %get3A_663 = tpu.vector_load %arg6[%get3A_661, %get3A_662] {strides = array<i32>} : memref<640x64xf32, #tpu.memory_space<vmem>>, vector<1x16xf32>,
      %get3A_664 = vector.shape_cast %get3A_663 : vector<1x16xf32> to vector<16xf32>
      %add3A_665 = arith.addf %add3A_658, %get3A_664 : vector<16xf32>
      %add3A_666 = arith.constant 416 : i32
      %add3A_667 = arith.addi %add3A_666, %scan3A_153 : i32
      %get3A_668 = arith.index_cast %add3A_667 : i32 to index
      %get3A_669 = arith.constant 48 : index
      %get3A_670 = tpu.vector_load %arg6[%get3A_668, %get3A_669] {strides = array<i32>} : memref<640x64xf32, #tpu.memory_space<vmem>>, vector<1x16xf32>,
      %get3A_671 = vector.shape_cast %get3A_670 : vector<1x16xf32> to vector<16xf32>
      %add3A_672 = arith.addf %add3A_665, %get3A_671 : vector<16xf32>
      %add3A_673 = arith.constant 448 : i32
      %add3A_674 = arith.addi %add3A_673, %scan3A_153 : i32
      %get3A_675 = arith.index_cast %add3A_674 : i32 to index
      %get3A_676 = arith.constant 48 : index
      %get3A_677 = tpu.vector_load %arg6[%get3A_675, %get3A_676] {strides = array<i32>} : memref<640x64xf32, #tpu.memory_space<vmem>>, vector<1x16xf32>,
      %get3A_678 = vector.shape_cast %get3A_677 : vector<1x16xf32> to vector<16xf32>
      %add3A_679 = arith.addf %add3A_672, %get3A_678 : vector<16xf32>
      %add3A_680 = arith.constant 480 : i32
      %add3A_681 = arith.addi %add3A_680, %scan3A_153 : i32
      %get3A_682 = arith.index_cast %add3A_681 : i32 to index
      %get3A_683 = arith.constant 48 : index
      %get3A_684 = tpu.vector_load %arg6[%get3A_682, %get3A_683] {strides = array<i32>} : memref<640x64xf32, #tpu.memory_space<vmem>>, vector<1x16xf32>,
      %get3A_685 = vector.shape_cast %get3A_684 : vector<1x16xf32> to vector<16xf32>
      %add3A_686 = arith.addf %add3A_679, %get3A_685 : vector<16xf32>
      %add3A_687 = arith.constant 512 : i32
      %add3A_688 = arith.addi %add3A_687, %scan3A_153 : i32
      %get3A_689 = arith.index_cast %add3A_688 : i32 to index
      %get3A_690 = arith.constant 48 : index
      %get3A_691 = tpu.vector_load %arg6[%get3A_689, %get3A_690] {strides = array<i32>} : memref<640x64xf32, #tpu.memory_space<vmem>>, vector<1x16xf32>,
      %get3A_692 = vector.shape_cast %get3A_691 : vector<1x16xf32> to vector<16xf32>
      %add3A_693 = arith.addf %add3A_686, %get3A_692 : vector<16xf32>
      %add3A_694 = arith.constant 544 : i32
      %add3A_695 = arith.addi %add3A_694, %scan3A_153 : i32
      %get3A_696 = arith.index_cast %add3A_695 : i32 to index
      %get3A_697 = arith.constant 48 : index
      %get3A_698 = tpu.vector_load %arg6[%get3A_696, %get3A_697] {strides = array<i32>} : memref<640x64xf32, #tpu.memory_space<vmem>>, vector<1x16xf32>,
      %get3A_699 = vector.shape_cast %get3A_698 : vector<1x16xf32> to vector<16xf32>
      %add3A_700 = arith.addf %add3A_693, %get3A_699 : vector<16xf32>
      %add3A_701 = arith.constant 576 : i32
      %add3A_702 = arith.addi %add3A_701, %scan3A_153 : i32
      %get3A_703 = arith.index_cast %add3A_702 : i32 to index
      %get3A_704 = arith.constant 48 : index
      %get3A_705 = tpu.vector_load %arg6[%get3A_703, %get3A_704] {strides = array<i32>} : memref<640x64xf32, #tpu.memory_space<vmem>>, vector<1x16xf32>,
      %get3A_706 = vector.shape_cast %get3A_705 : vector<1x16xf32> to vector<16xf32>
      %add3A_707 = arith.addf %add3A_700, %get3A_706 : vector<16xf32>
      %add3A_708 = arith.constant 608 : i32
      %add3A_709 = arith.addi %add3A_708, %scan3A_153 : i32
      %get3A_710 = arith.index_cast %add3A_709 : i32 to index
      %get3A_711 = arith.constant 48 : index
      %get3A_712 = tpu.vector_load %arg6[%get3A_710, %get3A_711] {strides = array<i32>} : memref<640x64xf32, #tpu.memory_space<vmem>>, vector<1x16xf32>,
      %get3A_713 = vector.shape_cast %get3A_712 : vector<1x16xf32> to vector<16xf32>
      %add3A_714 = arith.addf %add3A_707, %get3A_713 : vector<16xf32>
      %swap3A_715 = arith.index_cast %scan3A_153 : i32 to index
      %swap3A_716 = arith.constant 48 : index
      %swap3A_717 = tpu.vector_load %arg7[%swap3A_715, %swap3A_716] {strides = array<i32>} : memref<32x64xf32, #tpu.memory_space<vmem>>, vector<1x16xf32>,
      %swap3A_718 = vector.shape_cast %swap3A_717 : vector<1x16xf32> to vector<16xf32>
      %swap3A_719 = vector.shape_cast %add3A_714 : vector<16xf32> to vector<1x16xf32>
      tpu.vector_store %arg7[%swap3A_715, %swap3A_716], %swap3A_719 {strides = array<i32>} : memref<32x64xf32, #tpu.memory_space<vmem>>, vector<1x16xf32>,
    }
    %scan3A_152 = arith.constant 32 : i32
    "tpu.region"() ({
      %run_scoped3A_153 = tpu.sem_alloc : memref<!tpu.dma_semaphore, #tpu.memory_space<semaphore_mem>>
      %dma_start3A_154 = arith.constant 0 : i32
      %dma_start3A_155 = tpu.memref_slice %arg4[%mul3A_2, %dma_start3A_154] : memref<1024x64xf32, #tpu.memory_space<hbm>> -> memref<32x64xf32, #tpu.memory_space<hbm>>
      %dma_start3A_156 = arith.constant 0 : i32
      %dma_start3A_157 = tpu.memref_slice %arg4[%mul3A_2, %dma_start3A_156] : memref<1024x64xf32, #tpu.memory_space<hbm>> -> memref<32x64xf32, #tpu.memory_space<hbm>>
      tpu.enqueue_dma source(%arg7 : memref<32x64xf32, #tpu.memory_space<vmem>>) target(%dma_start3A_157 : memref<32x64xf32, #tpu.memory_space<hbm>>) target_semaphore(%run_scoped3A_153 : memref<!tpu.dma_semaphore, #tpu.memory_space<semaphore_mem>>)
      %dma_wait3A_158 = arith.constant 0 : i32
      %dma_wait3A_159 = tpu.memref_slice %arg4[%mul3A_2, %dma_wait3A_158] : memref<1024x64xf32, #tpu.memory_space<hbm>> -> memref<32x64xf32, #tpu.memory_space<hbm>>
      %dma_wait3A_160 = arith.constant 0 : i32
      %dma_wait3A_161 = tpu.memref_slice %arg4[%mul3A_2, %dma_wait3A_160] : memref<1024x64xf32, #tpu.memory_space<hbm>> -> memref<32x64xf32, #tpu.memory_space<hbm>>
      tpu.wait_dma2 semaphore(%run_scoped3A_153 : memref<!tpu.dma_semaphore, #tpu.memory_space<semaphore_mem>>) src(%arg7 : memref<32x64xf32, #tpu.memory_space<vmem>>) dst(%dma_wait3A_161 : memref<32x64xf32, #tpu.memory_space<hbm>>)
      tpu.yield
    }) : () -> ()
    return
  }
}

module attributes {stable_mosaic.version = 14 : i64} {
  func.func @_stats_kernel(%arg0: i32, %arg1: memref<1024x64xf32, #tpu.memory_space<vmem>>, %arg2: memref<64x1024xf32, #tpu.memory_space<vmem>>, %arg3: memref<1x1024xf32, #tpu.memory_space<vmem>>, %arg4: memref<1x1024xf32, #tpu.memory_space<vmem>>, %arg5: memref<1x1024xf32, #tpu.memory_space<vmem>>) attributes {dimension_semantics = [#tpu.dimension_semantics<arbitrary>], iteration_bounds = array<i64: 98>, scalar_prefetch = 0 : i64, scratch_operands = 1 : i64, tpu.core_type = #tpu.core_type<tc>, window_params = [{pipeline_mode = #tpu.pipeline_mode<synchronous>, transform_indices = @transform_0, window_bounds = array<i64: 1024, 64>}, {transform_indices = @transform_1, window_bounds = array<i64: 64, 1024>}, {transform_indices = @transform_2, window_bounds = array<i64: 1, 1024>}, {pipeline_mode = #tpu.pipeline_mode<synchronous>, transform_indices = @transform_3, window_bounds = array<i64: 1, 1024>}]} {
    %get3A = arith.constant 0 : index
    %get3A_0 = arith.constant 0 : index
    %get3A_1 = vector.load %arg2[%get3A, %get3A_0] : memref<64x1024xf32, #tpu.memory_space<vmem>>, vector<64x1024xf32>
    %mul3A = arith.constant 1.44269502 : f32
    %mul3A_2 = vector.broadcast %mul3A : f32 to vector<64x1024xf32>
    %mul3A_3 = arith.mulf %get3A_1, %mul3A_2 : vector<64x1024xf32>
    %convert_element_type3A = arith.truncf %mul3A_3 : vector<64x1024xf32> to vector<64x1024xbf16>
    %get3A_4 = arith.constant 0 : index
    %get3A_5 = arith.constant 0 : index
    %get3A_6 = vector.load %arg1[%get3A_4, %get3A_5] : memref<1024x64xf32, #tpu.memory_space<vmem>>, vector<1024x64xf32>
    %convert_element_type3A_7 = arith.truncf %get3A_6 : vector<1024x64xf32> to vector<1024x64xbf16>
    %dot_general3A = arith.constant dense<0.000000e+00> : vector<1024x1024xf32>
    %dot_general3A_8 = tpu.matmul %convert_element_type3A, %convert_element_type3A_7, %dot_general3A {dimension_numbers = #tpu.dot_dimension_numbers<[0], [1], [1], [0], [0, 1, 1, 0], [], []>, transpose_lhs_hint = false} : vector<64x1024xbf16>, vector<1024x64xbf16>, vector<1024x1024xf32> -> vector<1024x1024xf32>
    %get3A_9 = arith.constant 0 : index
    %get3A_10 = arith.constant 0 : index
    %get3A_11 = vector.load %arg3[%get3A_9, %get3A_10] : memref<1x1024xf32, #tpu.memory_space<vmem>>, vector<1x1024xf32>
    %mul3A_12 = arith.constant 1.44269502 : f32
    %mul3A_13 = vector.broadcast %mul3A_12 : f32 to vector<1x1024xf32>
    %mul3A_14 = arith.mulf %get3A_11, %mul3A_13 : vector<1x1024xf32>
    %convert_element_type3A_15 = arith.truncf %mul3A_14 : vector<1x1024xf32> to vector<1x1024xbf16>
    %broadcast_in_dim3A = arith.constant 1.000000e+00 : bf16
    %broadcast_in_dim3A_16 = vector.broadcast %broadcast_in_dim3A : bf16 to vector<1x1024xbf16>
    %dot_general3A_17 = arith.constant dense<0.000000e+00> : vector<1024x1024xf32>
    %dot_general3A_18 = tpu.matmul %convert_element_type3A_15, %broadcast_in_dim3A_16, %dot_general3A_17 {dimension_numbers = #tpu.dot_dimension_numbers<[0], [0], [1], [1], [0, 1, 1, 1], [], []>, transpose_lhs_hint = false} : vector<1x1024xbf16>, vector<1x1024xbf16>, vector<1024x1024xf32> -> vector<1024x1024xf32>
    %add3A = arith.addf %dot_general3A_8, %dot_general3A_18 : vector<1024x1024xf32>
    %iota3A = tpu.iota {dimensions = array<i32: 0>} : vector<1024x1024xi32>
    %mul3A_19 = arith.constant 1024 : i32
    %mul3A_20 = arith.muli %arg0, %mul3A_19 : i32
    %add3A_21 = vector.broadcast %mul3A_20 : i32 to vector<1024x1024xi32>
    %add3A_22 = arith.addi %iota3A, %add3A_21 : vector<1024x1024xi32>
    %lt3A = arith.constant 100000 : i32
    %lt3A_23 = vector.broadcast %lt3A : i32 to vector<1024x1024xi32>
    %lt3A_24 = arith.cmpi slt, %add3A_22, %lt3A_23 : vector<1024x1024xi32>
    %jit3A = arith.constant -1.000000e+04 : f32
    %broadcast_in_dim3A_25 = vector.broadcast %jit3A : f32 to vector<1024x1024xf32>
    %select_n3A = arith.select %lt3A_24, %add3A, %broadcast_in_dim3A_25 : vector<1024x1024xi1>, vector<1024x1024xf32>
    %exp23A = math.exp2 %select_n3A : vector<1024x1024xf32>
    %reduce_sum3A = arith.constant dense<0.000000e+00> : vector<1024xf32>
    %reduce_sum3A_26 = vector.multi_reduction <add>, %exp23A, %reduce_sum3A [0] : vector<1024x1024xf32> to vector<1024xf32>
    %broadcast_in_dim3A_27 = vector.shape_cast %reduce_sum3A_26 : vector<1024xf32> to vector<1x1024xf32>
    %eq3A = arith.constant 0 : i32
    %eq3A_28 = arith.cmpi eq, %arg0, %eq3A : i32
    %convert_element_type3A_29 = arith.extui %eq3A_28 : i1 to i32
    %cond3A = arith.constant 0 : i32
    %cond3A_30 = arith.cmpi ne, %convert_element_type3A_29, %cond3A : i32
    scf.if %cond3A_30 {
      %swap3A = arith.constant 0 : index
      %swap3A_40 = arith.constant 0 : index
      %swap3A_41 = vector.load %arg5[%swap3A, %swap3A_40] : memref<1x1024xf32, #tpu.memory_space<vmem>>, vector<1x1024xf32>
      tpu.vector_store %arg5[%swap3A, %swap3A_40], %broadcast_in_dim3A_27 {strides = array<i32>} : memref<1x1024xf32, #tpu.memory_space<vmem>>, vector<1x1024xf32>,
    } else {
    }
    %gt3A = arith.constant 0 : i32
    %gt3A_31 = arith.cmpi sgt, %arg0, %gt3A : i32
    %convert_element_type3A_32 = arith.extui %gt3A_31 : i1 to i32
    %cond3A_33 = arith.constant 0 : i32
    %cond3A_34 = arith.cmpi ne, %convert_element_type3A_32, %cond3A_33 : i32
    scf.if %cond3A_34 {
      %get3A_40 = arith.constant 0 : index
      %get3A_41 = arith.constant 0 : index
      %get3A_42 = vector.load %arg5[%get3A_40, %get3A_41] : memref<1x1024xf32, #tpu.memory_space<vmem>>, vector<1x1024xf32>
      %add3A_43 = arith.addf %get3A_42, %broadcast_in_dim3A_27 : vector<1x1024xf32>
      %swap3A = arith.constant 0 : index
      %swap3A_44 = arith.constant 0 : index
      %swap3A_45 = vector.load %arg5[%swap3A, %swap3A_44] : memref<1x1024xf32, #tpu.memory_space<vmem>>, vector<1x1024xf32>
      tpu.vector_store %arg5[%swap3A, %swap3A_44], %add3A_43 {strides = array<i32>} : memref<1x1024xf32, #tpu.memory_space<vmem>>, vector<1x1024xf32>,
    } else {
    }
    %eq3A_35 = arith.constant 97 : i32
    %eq3A_36 = arith.cmpi eq, %arg0, %eq3A_35 : i32
    %convert_element_type3A_37 = arith.extui %eq3A_36 : i1 to i32
    %cond3A_38 = arith.constant 0 : i32
    %cond3A_39 = arith.cmpi ne, %convert_element_type3A_37, %cond3A_38 : i32
    scf.if %cond3A_39 {
      %get3A_40 = arith.constant 0 : index
      %get3A_41 = arith.constant 0 : index
      %get3A_42 = vector.load %arg5[%get3A_40, %get3A_41] : memref<1x1024xf32, #tpu.memory_space<vmem>>, vector<1x1024xf32>
      %log3A = math.log %get3A_42 : vector<1x1024xf32>
      %swap3A = arith.constant 0 : index
      %swap3A_43 = arith.constant 0 : index
      %swap3A_44 = vector.load %arg4[%swap3A, %swap3A_43] : memref<1x1024xf32, #tpu.memory_space<vmem>>, vector<1x1024xf32>
      tpu.vector_store %arg4[%swap3A, %swap3A_43], %log3A {strides = array<i32>} : memref<1x1024xf32, #tpu.memory_space<vmem>>, vector<1x1024xf32>,
    } else {
    }
    return
  }
  func.func @transform_0(%arg0: i32) -> (i32, i32) {
    %c0_i32 = arith.constant 0 : i32
    %c0_i32_0 = arith.constant 0 : i32
    %c0_i32_1 = arith.constant 0 : i32
    return %c0_i32, %c0_i32_0 : i32, i32
  }
  func.func @transform_1(%arg0: i32) -> (i32, i32) {
    %c0_i32 = arith.constant 0 : i32
    %c0_i32_0 = arith.constant 0 : i32
    return %c0_i32, %arg0 : i32, i32
  }
  func.func @transform_2(%arg0: i32) -> (i32, i32) {
    %c0_i32 = arith.constant 0 : i32
    %c0_i32_0 = arith.constant 0 : i32
    return %c0_i32, %arg0 : i32, i32
  }
  func.func @transform_3(%arg0: i32) -> (i32, i32) {
    %c0_i32 = arith.constant 0 : i32
    %c0_i32_0 = arith.constant 0 : i32
    %c0_i32_1 = arith.constant 0 : i32
    return %c0_i32, %c0_i32_0 : i32, i32
  }
}

module attributes {stable_mosaic.version = 14 : i64} {
  func.func @_write_kernel(%arg0: i32, %arg1: memref<1024x64xf32, #tpu.memory_space<vmem>>, %arg2: memref<64x1024xf32, #tpu.memory_space<vmem>>, %arg3: memref<1x1024xf32, #tpu.memory_space<vmem>>, %arg4: memref<1x1024xf32, #tpu.memory_space<vmem>>, %arg5: memref<1024x1024xf32, #tpu.memory_space<vmem>>) attributes {dimension_semantics = [#tpu.dimension_semantics<parallel>], iteration_bounds = array<i64: 98>, scalar_prefetch = 0 : i64, scratch_operands = 0 : i64, tpu.core_type = #tpu.core_type<tc>, window_params = [{pipeline_mode = #tpu.pipeline_mode<synchronous>, transform_indices = @transform_0, window_bounds = array<i64: 1024, 64>}, {transform_indices = @transform_1, window_bounds = array<i64: 64, 1024>}, {transform_indices = @transform_2, window_bounds = array<i64: 1, 1024>}, {pipeline_mode = #tpu.pipeline_mode<synchronous>, transform_indices = @transform_3, window_bounds = array<i64: 1, 1024>}, {transform_indices = @transform_4, window_bounds = array<i64: 1024, 1024>}]} {
    %get3A = arith.constant 0 : index
    %get3A_0 = arith.constant 0 : index
    %get3A_1 = vector.load %arg2[%get3A, %get3A_0] : memref<64x1024xf32, #tpu.memory_space<vmem>>, vector<64x1024xf32>
    %convert_element_type3A = arith.truncf %get3A_1 : vector<64x1024xf32> to vector<64x1024xbf16>
    %get3A_2 = arith.constant 0 : index
    %get3A_3 = arith.constant 0 : index
    %get3A_4 = vector.load %arg1[%get3A_2, %get3A_3] : memref<1024x64xf32, #tpu.memory_space<vmem>>, vector<1024x64xf32>
    %convert_element_type3A_5 = arith.truncf %get3A_4 : vector<1024x64xf32> to vector<1024x64xbf16>
    %dot_general3A = arith.constant dense<0.000000e+00> : vector<1024x1024xf32>
    %dot_general3A_6 = tpu.matmul %convert_element_type3A, %convert_element_type3A_5, %dot_general3A {dimension_numbers = #tpu.dot_dimension_numbers<[0], [1], [1], [0], [0, 1, 1, 0], [], []>, transpose_lhs_hint = false} : vector<64x1024xbf16>, vector<1024x64xbf16>, vector<1024x1024xf32> -> vector<1024x1024xf32>
    %get3A_7 = arith.constant 0 : index
    %get3A_8 = arith.constant 0 : index
    %get3A_9 = vector.load %arg3[%get3A_7, %get3A_8] : memref<1x1024xf32, #tpu.memory_space<vmem>>, vector<1x1024xf32>
    %convert_element_type3A_10 = arith.truncf %get3A_9 : vector<1x1024xf32> to vector<1x1024xbf16>
    %broadcast_in_dim3A = arith.constant 1.000000e+00 : bf16
    %broadcast_in_dim3A_11 = vector.broadcast %broadcast_in_dim3A : bf16 to vector<1x1024xbf16>
    %dot_general3A_12 = arith.constant dense<0.000000e+00> : vector<1024x1024xf32>
    %dot_general3A_13 = tpu.matmul %convert_element_type3A_10, %broadcast_in_dim3A_11, %dot_general3A_12 {dimension_numbers = #tpu.dot_dimension_numbers<[0], [0], [1], [1], [0, 1, 1, 1], [], []>, transpose_lhs_hint = false} : vector<1x1024xbf16>, vector<1x1024xbf16>, vector<1024x1024xf32> -> vector<1024x1024xf32>
    %add3A = arith.addf %dot_general3A_6, %dot_general3A_13 : vector<1024x1024xf32>
    %get3A_14 = arith.constant 0 : index
    %get3A_15 = arith.constant 0 : index
    %get3A_16 = vector.load %arg4[%get3A_14, %get3A_15] : memref<1x1024xf32, #tpu.memory_space<vmem>>, vector<1x1024xf32>
    %sub3A = vector.broadcast %get3A_16 : vector<1x1024xf32> to vector<1024x1024xf32>
    %sub3A_17 = arith.subf %add3A, %sub3A : vector<1024x1024xf32>
    %swap3A = arith.constant 0 : index
    %swap3A_18 = arith.constant 0 : index
    %swap3A_19 = vector.load %arg5[%swap3A, %swap3A_18] : memref<1024x1024xf32, #tpu.memory_space<vmem>>, vector<1024x1024xf32>
    tpu.vector_store %arg5[%swap3A, %swap3A_18], %sub3A_17 {strides = array<i32>} : memref<1024x1024xf32, #tpu.memory_space<vmem>>, vector<1024x1024xf32>,
    return
  }
  func.func @transform_0(%arg0: i32) -> (i32, i32) {
    %c0_i32 = arith.constant 0 : i32
    %c0_i32_0 = arith.constant 0 : i32
    %c0_i32_1 = arith.constant 0 : i32
    return %c0_i32, %c0_i32_0 : i32, i32
  }
  func.func @transform_1(%arg0: i32) -> (i32, i32) {
    %c0_i32 = arith.constant 0 : i32
    %c0_i32_0 = arith.constant 0 : i32
    return %c0_i32, %arg0 : i32, i32
  }
  func.func @transform_2(%arg0: i32) -> (i32, i32) {
    %c0_i32 = arith.constant 0 : i32
    %c0_i32_0 = arith.constant 0 : i32
    return %c0_i32, %arg0 : i32, i32
  }
  func.func @transform_3(%arg0: i32) -> (i32, i32) {
    %c0_i32 = arith.constant 0 : i32
    %c0_i32_0 = arith.constant 0 : i32
    %c0_i32_1 = arith.constant 0 : i32
    return %c0_i32, %c0_i32_0 : i32, i32
  }
  func.func @transform_4(%arg0: i32) -> (i32, i32) {
    %c0_i32 = arith.constant 0 : i32
    %c0_i32_0 = arith.constant 0 : i32
    return %arg0, %c0_i32 : i32, i32
  }
}

</mosaic_0001>

<sc_bundles>
// kernel: kernel.5.cloned.1.call-start
scs
__scs_entry_jumppad:
0x0: {  	(pc) =	sbr.rel $0x88, $3  }
0x1: {  	(tag) =	ssettag $0x0;
	lr =	simm.s32 $0x1  }
0x2: {  	[smem:$0x3F9D] =	sst lr;
	_ =	strace $0xD0000000  }
0x3: {  	_ = 	snop  }
0x4: {  	_ = 	snop  }
0x5: {  	_ = 	snop  }
0x6: {  	_ = 	snop  }
0x7: {  	_ = 	snop  }
__scs_overlays_trampoline_lowered:
0x8: {  	[smem:$0x3FAC] =	sst s0  }
0x9: {  	[smem:$0x3FAD] =	sst s1  }
0xa: {  	[smem:$0x3FAE] =	sst s2  }
0xb: {  	[smem:$0x3FAF] =	sst s3  }
0xc: {  	[smem:$0x3FB0] =	sst s4  }
0xd: {  	[smem:$0x3FB1] =	sst s5  }
0xe: {  	[smem:$0x3FB2] =	sst s6  }
0xf: {  	[smem:$0x3FB3] =	sst s7  }
0x10: {  	[smem:$0x3FB4] =	sst s8  }
0x11: {  	[smem:$0x3FB5] =	sst s9;
	s0 =	simm.s32 @!p0 $0x0  }
0x12: {  	s1 =	sld [smem:$0x3F9B];
	s0 =	simm.s32 @p0 $0x1  }
0x13: {  	[smem:$0x3FB6] =	sst s0;
	s0 =	simm.s32 @!p1 $0x0  }
0x14: {  	s2 =	sld [smem:$0x3F9A];
	s0 =	simm.s32 @p1 $0x1  }
0x15: {  	[smem:$0x3FB7] =	sst s0;
	s0 =	simm.s32 @!p2 $0x0  }
0x16: {  	s3 =	sld [smem:$0x3FDB];
	s0 =	simm.s32 @p2 $0x1  }
0x17: {  	s4 =	simm.s32 $0x1BF5;
	[smem:$0x3FB9] =	sst s0  }
0x18: {  	s0 =	sld [smem:$0x3F9C];
	_ =	swait.ge [sflag:s4], $0x0  }
0x19: {  	s7 =	sld [smem:$0x3F9D]  }
0x1a: {  	s8 =	sadd.s32 $0xFFFFE003, lr  }
0x1b: {  	s9 =	sadd.s32 $0xFFFFFEF7, lr;
	s5 =	simm.s32 $0xFFFFFFFF;
	p2 =	slt.u32 s8, $0xFFFFF086  }
0x1c: {  	p1 =	slt.u32 s9, $0xF7A;
	s5 =	simm.s32 @!p2 $0x0  }
0x1d: {  	s5 =	simm.s32 @p1 $0x1;
	p0 =	seq.s32 s7, s2  }
0x1e: {  	s7 =	smul.u32 @!p0 $0xF7A, s2;
	p2 =	seq.s32 @!p0 s5, $0x0  }
0x1f: {  	s9 =	smul.u32 $0xF7A, s1;
	s8 =	simm.s32 @!p0 $0x1BF5;
	p2 =	por !p2, p0  }
0x20: {  	[sflag:s8] =	ssyncset.s32 @!p0 $0xFFFFF086;
	s6 =	sadd.s32 @!p0 s3, s7;
	s7 =	simm.s32 @!p0 $0x108  }
0x21: {  	s3 =	sadd.s32 s3, s9;
	s6 =	sadd.s32 @!p0 $0x88, s6;
	s7 =	simm.s32 @p2 $0x1082  }
0x22: {  	[simem:s7], [sflag:s8] =	dma.local @!p0 [hbm:s6], $0xF7A  }
0x23: {  	s9 =	sor.u32 $0xD0000000, s2;
	s6 =	simm.s32 $0x108;
	_ =	swait.ge @!p0 [sflag:s8], $0x0  }
0x24: {  	s3 =	sadd.s32 $0x88, s3;
	s6 =	simm.s32 @!p1 $0x1082;
	[sflag:s4] =	ssyncset.s32 $0xFFFFF086  }
0x25: {  	[simem:s6], [sflag:s4] =	dma.local [hbm:s3], $0xF7A  }
0x26: {  	[smem:$0x3F9D] =	sst s1;
	(tag) =	ssettag s2;
	_ =	strace s9  }
0x27: {  	s1 =	sld [smem:$0x3FAD]  }
0x28: {  	s2 =	sld [smem:$0x3FAE]  }
0x29: {  	s4 =	sld [smem:$0x3FB0]  }
0x2a: {  	p0 =	seq.s32 s5, $0x0;
	s5 =	sld [smem:$0x3FB1]  }
0x2b: {  	s6 =	sld [smem:$0x3FB2]  }
0x2c: {  	s7 =	sld [smem:$0x3FB3]  }
0x2d: {  	s3 =	simm.s32 $0x108;
	s8 =	sld [smem:$0x3FB4]  }
0x2e: {  	s3 =	simm.s32 @!p0 $0x1082;
	s9 =	sld [smem:$0x3FB5]  }
0x2f: {  	lr =	sadd.s32 s0, s3;
	s0 =	sld [smem:$0x3FAC]  }
0x30: {  	s3 =	sld [smem:$0x3FAF]  }
0x31: {  	[smem:$0x3FB8] =	sst s10  }
0x32: {  	s10 =	sld [smem:$0x3FB6];
	_ =	sdelay $0x3  }
0x33: {  	p0 =	seq.s32 s10, $0x1;
	s10 =	sld [smem:$0x3FB8];
	_ =	sdelay $0x3  }
0x34: {  	[smem:$0x3FB8] =	sst s10  }
0x35: {  	s10 =	sld [smem:$0x3FB7];
	_ =	sdelay $0x3  }
0x36: {  	p1 =	seq.s32 s10, $0x1;
	s10 =	sld [smem:$0x3FB8];
	_ =	sdelay $0x3  }
0x37: {  	[smem:$0x3FB8] =	sst s10  }
0x38: {  	s10 =	sld [smem:$0x3FB9]  }
0x39: {  	_ = 	snop;
	(pc) =	sbr.ind lr, $3  }
0x3a: {  	_ = 	snop  }
0x3b: {  	_ = 	snop  }
0x3c: {  	p2 =	seq.s32 s10, $0x1;
	s10 =	sld [smem:$0x3FB8]  }
0x3d: {  	_ =	shalt  }
0x3e: {  	_ =	shalt  }
0x3f: {  	_ =	shalt  }
0x40: {  	_ =	shalt  }
0x41: {  	_ =	shalt  }
0x42: {  	_ =	shalt  }
0x43: {  	_ =	shalt  }
0x44: {  	_ =	shalt  }
0x45: {  	_ =	shalt  }
0x46: {  	_ =	shalt  }
0x47: {  	_ =	shalt  }
0x48: {  	_ =	shalt  }
0x49: {  	_ =	shalt  }
0x4a: {  	_ =	shalt  }
0x4b: {  	_ =	shalt  }
0x4c: {  	_ =	shalt  }
0x4d: {  	_ =	shalt  }
0x4e: {  	_ =	shalt  }
0x4f: {  	_ =	shalt  }
0x50: {  	_ =	shalt  }
0x51: {  	_ =	shalt  }
0x52: {  	_ =	shalt  }
0x53: {  	_ =	shalt  }
0x54: {  	_ =	shalt  }
0x55: {  	_ =	shalt  }
0x56: {  	_ =	shalt  }
0x57: {  	_ =	shalt  }
0x58: {  	_ =	shalt  }
0x59: {  	_ =	shalt  }
0x5a: {  	_ =	shalt  }
0x5b: {  	_ =	shalt  }
0x5c: {  	_ =	shalt  }
0x5d: {  	_ =	shalt  }
0x5e: {  	_ =	shalt  }
0x5f: {  	_ =	shalt  }
0x60: {  	_ =	shalt  }
0x61: {  	_ =	shalt  }
0x62: {  	_ =	shalt  }
0x63: {  	_ =	shalt  }
0x64: {  	_ =	shalt  }
0x65: {  	_ =	shalt  }
0x66: {  	_ =	shalt  }
0x67: {  	_ =	shalt  }
0x68: {  	_ =	shalt  }
0x69: {  	_ =	shalt  }
0x6a: {  	_ =	shalt  }
0x6b: {  	_ =	shalt  }
0x6c: {  	_ =	shalt  }
0x6d: {  	_ =	shalt  }
0x6e: {  	_ =	shalt  }
0x6f: {  	_ =	shalt  }
0x70: {  	_ =	shalt  }
0x71: {  	_ =	shalt  }
0x72: {  	_ =	shalt  }
0x73: {  	_ =	shalt  }
0x74: {  	_ =	shalt  }
0x75: {  	_ =	shalt  }
0x76: {  	_ =	shalt  }
0x77: {  	_ =	shalt  }
0x78: {  	_ =	shalt  }
0x79: {  	_ =	shalt  }
0x7a: {  	_ =	shalt  }
0x7b: {  	_ =	shalt  }
0x7c: {  	_ =	shalt  }
0x7d: {  	_ =	shalt  }
0x7e: {  	_ =	shalt  }
0x7f: {  	_ =	shalt  }
0x80: {  	_ =	shalt  }
0x81: {  	_ =	shalt  }
0x82: {  	_ =	shalt  }
0x83: {  	_ =	shalt  }
0x84: {  	_ =	shalt  }
0x85: {  	_ =	shalt  }
0x86: {  	_ =	shalt  }
0x87: {  	_ =	shalt  }
.Lfunc_end0:
.L_simem_size_0:
called_computation_lowered:
.L_overlay_start_0:
0x88: {  	s2 =	sld [smem:$0x3FD9]  }
0x89: {  	s3 =	sld [smem:$0x3FFE];
	_ =	sdelay $0x1  }
0x8a: {  	s1 =	srdreg.scid  }
0x8b: {  	s0 =	sand.u32 $0x1, s1  }
0x8c: {  	s17 =	sshll.u32 s0, $0xA;
	s2 =	sadd.s32 s3, s2  }
0x8d: {  	s2 =	sadd.s32 s2, s17  }
0x8e: {  	[smem:$0x3FC4] =	sst s2  }
0x8f: {  	_ = 	snop  }
0x90: {  	s2 =	sld [smem:$0x3FD0];
	(tm) =	ssettm $0x1  }
0x91: {  	s18 =	sld [smem:$0x3FFB];
	_ =	sdelay $0x3  }
0x92: {  	_ =	strace s18  }
0x93: {  	s3 =	sld [smem:$0x3FFC];
	_ =	sdelay $0x3  }
0x94: {  	_ =	strace s3  }
0x95: {  	s3 =	sld [smem:$0x3FFD];
	_ =	sdelay $0x3  }
0x96: {  	_ =	strace s3  }
0x97: {  	_ =	strace $0x8FFFFFFF  }
0x98: {  	s19 =	sld [smem:$0x3FDB];
	_ =	sdelay $0x1  }
0x99: {  	s4 =	simm.s32 $_scs_section_size  }
0x9a: {  	s5 =	simm.s32 $_size__tile_overlayer_lowered;
	s6 =	simm.s32 $_tile_overlayer_lowered  }
0x9b: {  	s22 =	simm.s32 $0x1BFF;
	s21 =	sshll.u32 s6, $0x1;
	s3 =	sadd.s32 s4, s19  }
0x9c: {  	s7 =	simm.s32 $0x0;
	s20 =	sshll.u32 s5, $0x1;
	s5 =	sadd.s32 s21, s3  }
0x9d: {  	[timem:s7], [sflag:s22] =	dma.local [hbm:s5], s20  }
0x9e: {  	_ =	swait.ge [sflag:s22], s20  }
0x9f: {  	s4 =	ssub.s32 $0x0, s20;
	[sflag:s22] =	ssyncset.done $0x0  }
0xa0: {  	[sflag:s22] =	ssyncadd.s32 s4;
	_ =	sdelay $0x1  }
0xa1: {  	s23 =	simm.s32 $0x1B8B  }
0xa2: {  	_ =	swait.ge [sflag:s23], $0x1  }
0xa3: {  	[sflag:s23] =	ssyncset.done $0x0  }
0xa4: {  	s25 =	simm.s32 $0x1B8E;
	s24 =	sld [smem:$0x3FFE];
	[sflag:s23] =	ssyncadd.s32 $0xFFFFFFFF  }
0xa5: {  	s26 =	simm.s32 $execute0_lowered;
	[smem:$0x3FD2] =	sst s25  }
0xa6: {  	s5 =	sshll.u32 s26, $0x1;
	_ =	strace $0x80000046;
	[dreg:$0x1] =	wrdreg $0xFFFFFFFF  }
0xa7: {  	s28 =	simm.s32 $_size_execute0_lowered;
	s3 =	sadd.s32 s3, s5;
	[dreg:$0x0] =	wrdreg $0x0  }
0xa8: {  	s5 =	sshll.u32 s28, $0x1;
	[dreg:$0x2] =	wrdreg s3  }
0xa9: {  	[dreg:$0x3] =	wrdreg s5  }
0xaa: {  	[dreg:$0x4] =	wrdreg $0xC0  }
0xab: {  	_ =	task [dreg:s7], $0x5FFFF  }
0xac: {  	[dreg:$0x1] =	wrdreg $0xFFFFFFFF  }
0xad: {  	[dreg:$0x0] =	wrdreg $0x60  }
0xae: {  	[dreg:$0x2] =	wrdreg s24  }
0xaf: {  	[dreg:$0x3] =	wrdreg s2  }
0xb0: {  	[dreg:$0x4] =	wrdreg $0x9  }
0xb1: {  	_ =	task.clear_ibuf [dreg:s7], $0x5FFFF;
	_ =	strace $0x90000046  }
0xb2: {  	s29 =	simm.s32 $0x9;
	_ =	strace $0x80000048  }
0xb3: {  	_ =	swait.ge [sflag:s29], $0x1  }
0xb4: {  	[sflag:s29] =	ssyncadd.s32 $0xFFFFFFFF  }
0xb5: {  	_ =	strace $0x90000048  }
0xb6: {  	_ =	sfence  }
0xb7: {  	s30 =	sld [smem:$0x0];
	_ =	sdelay $0x2  }
0xb8: {  	s31 =	sshll.u32 s1, $0xD;
	s1 =	sshrl.u32 s1, $0x2  }
0xb9: {  	s3 =	sand.u32 $0x4000, s31;
	s1 =	sadd.s32 s1, s30  }
0xba: {  	s0 =	sor.u32 s3, s0;
	s1 =	sshll.u32 s1, $0x11  }
0xbb: {  	s0 =	sor.u32 s1, s0  }
0xbc: {  	s0 =	sadd.s32 $0x8F2B, s0  }
0xbd: {  	[sflag:s0] =	ssyncadd.remote.s32 $0x1  }
0xbe: {  	_ =	sfence.sel $0xFFFF  }
0xbf: {  	[dreg:$0x0] =	wrdreg $0xFFFFFFFF;
	(pc) =	sbr.abs _section_cstart, $3  }
0xc0: {  	[dreg:$0x1] =	wrdreg $0xFFFFFFFF  }
0xc1: {  	_ =	task.clear_ibuf [dreg:s7], $0x2FFFF;
	_ =	strace $0x9FFFFFFF  }
0xc2: {  	(tm) =	ssettm $0x7FFFFFFF  }
0xc3: {  	_ =	shalt  }
tec
execute0_lowered:
.L_overlay_start_1:
0x0: {  	(tag) =	ssettag $0x1  }
0x1: {  	s0 =	srdreg.scid;
	s1 =	rddreg [dreg:$0x0]  }
0x2: {  	s2 =	stileid.u32;
	s4 =	rddreg [dreg:$0x1];
	s31 =	simm.s32 $0x140  }
0x3: {  	s29 =	simm.s32 $0x50;
	s28 =	simm.s32 $0x1;
	s30 =	simm.s32 $0x0  }
0x4: {  	s0 =	sand.u32 $0x1, s0;
	s3 =	sshll.u32 s2, $0x6;
	s2 =	simm.s32 $0x0  }
0x5: {  	s5 =	sshll.u32 s0, $0x5;
	[smem:$0x7FF] =	sst s2;
	s0 =	ssub.s32 $0x2, s0  }
0x6: {  	s5 =	sor.u32 s5, s3;
	_ =	strace $0x80000047;
	s7 =	sshrl.u32 s0, $0x1  }
0x7: {  	s3 =	sshrl.u32 s5, $0x3;
	s0 =	ssub.s32 s0, s7;
	s26 =	sshll.u32 s5, $0x3  }
0x8: {  	s6 =	sadd.s32 s3, s1;
	s3 =	sadd.s32 $0x1000, s1;
	s22 =	sadd.s32 s4, s26  }
0x9: {  	s26 =	simm.s32 $0x2;
	s1 =	simm.s32 $0xA0;
	s23 =	sadd.s32 $0x600, s6  }
0xa: {  	s24 =	sadd.s32 $0x680, s6;
	s25 =	sadd.s32 $0x700, s6;
	s7 =	sadd.s32 $0x780, s6  }
0xb: {  	s8 =	sadd.s32 $0x800, s6;
	s9 =	sadd.s32 $0x880, s6;
	s10 =	sadd.s32 $0x900, s6  }
0xc: {  	s11 =	sadd.s32 $0x980, s6;
	s12 =	sadd.s32 $0xA00, s6;
	s13 =	sadd.s32 $0xA80, s6  }
0xd: {  	s14 =	sadd.s32 $0xB00, s6;
	s15 =	sadd.s32 $0xB80, s6;
	s16 =	sadd.s32 $0xC00, s6  }
0xe: {  	s17 =	sadd.s32 $0xC80, s6;
	s18 =	sadd.s32 $0xD00, s6;
	[dreg:$0x3] =	wrdreg s23  }
0xf: {  	s19 =	sadd.s32 $0xD80, s6;
	s20 =	sadd.s32 $0xE00, s6;
	[dreg:$0x4] =	wrdreg s24  }
0x10: {  	s21 =	sadd.s32 $0xE80, s6;
	[dreg:$0x5] =	wrdreg s25;
	s23 =	sadd.s32 $0xF00, s6  }
0x11: {  	s24 =	sadd.s32 $0xF80, s6;
	s25 =	smax.u32 s0, $0x1;
	s0 =	simm.s32 $0x1E0  }
.LBB2_1:
0x12: {  	s4 =	rddreg [dreg:$0x3]  }
0x13: {  	[tilespmem:s2], [sflag:$0x2] =	stream.linear.gather [hbm4b:s4+s2], $0x20, $0x38;
	[tilespmem:$0xAA80] =	vst v63  }
0x14: {  	_ =	swait.ge [sflag:s26], $0x20  }
0x15: {  	[sflag:s26] =	ssyncset.done $0x0  }
0x16: {  	s5 =	simm.s32 $0x20;
	s6 =	rddreg [dreg:$0x4];
	[sflag:s26] =	ssyncadd.s32 $0xFFFFFFE0  }
0x17: {  	[tilespmem:s5], [sflag:$0x2] =	stream.linear.gather [hbm4b:s6+s2], $0x20, $0x38;
	[tilespmem:$0xAA80] =	vst v63  }
0x18: {  	_ =	swait.ge [sflag:s26], $0x20  }
0x19: {  	[sflag:s26] =	ssyncset.done $0x0  }
0x1a: {  	s6 =	simm.s32 $0x40;
	s5 =	rddreg [dreg:$0x5];
	[sflag:s26] =	ssyncadd.s32 $0xFFFFFFE0  }
0x1b: {  	[tilespmem:s6], [sflag:$0x2] =	stream.linear.gather [hbm4b:s5+s2], $0x20, $0x38;
	[tilespmem:$0xAA80] =	vst v63  }
0x1c: {  	_ =	swait.ge [sflag:s26], $0x20  }
0x1d: {  	[sflag:s26] =	ssyncset.done $0x0  }
0x1e: {  	s6 =	simm.s32 $0x60;
	[sflag:s26] =	ssyncadd.s32 $0xFFFFFFE0  }
0x1f: {  	[tilespmem:s6], [sflag:$0x2] =	stream.linear.gather [hbm4b:s7+s2], $0x20, $0x38;
	[tilespmem:$0xAA80] =	vst v63  }
0x20: {  	_ =	swait.ge [sflag:s26], $0x20  }
0x21: {  	[sflag:s26] =	ssyncset.done $0x0  }
0x22: {  	s5 =	simm.s32 $0x80;
	[sflag:s26] =	ssyncadd.s32 $0xFFFFFFE0  }
0x23: {  	[tilespmem:s5], [sflag:$0x2] =	stream.linear.gather [hbm4b:s8+s2], $0x20, $0x38;
	[tilespmem:$0xAA80] =	vst v63  }
0x24: {  	_ =	swait.ge [sflag:s26], $0x20  }
0x25: {  	[sflag:s26] =	ssyncset.done $0x0  }
0x26: {  	[sflag:s26] =	ssyncadd.s32 $0xFFFFFFE0  }
0x27: {  	[tilespmem:s1], [sflag:$0x2] =	stream.linear.gather [hbm4b:s9+s2], $0x20, $0x38;
	[tilespmem:$0xAA80] =	vst v63  }
0x28: {  	_ =	swait.ge [sflag:s26], $0x20  }
0x29: {  	[sflag:s26] =	ssyncset.done $0x0  }
0x2a: {  	s6 =	simm.s32 $0xC0;
	[sflag:s26] =	ssyncadd.s32 $0xFFFFFFE0  }
0x2b: {  	[tilespmem:s6], [sflag:$0x2] =	stream.linear.gather [hbm4b:s10+s2], $0x20, $0x38;
	[tilespmem:$0xAA80] =	vst v63  }
0x2c: {  	_ =	swait.ge [sflag:s26], $0x20  }
0x2d: {  	[sflag:s26] =	ssyncset.done $0x0  }
0x2e: {  	s5 =	simm.s32 $0xE0;
	[sflag:s26] =	ssyncadd.s32 $0xFFFFFFE0  }
0x2f: {  	[tilespmem:s5], [sflag:$0x2] =	stream.linear.gather [hbm4b:s11+s2], $0x20, $0x38;
	[tilespmem:$0xAA80] =	vst v63  }
0x30: {  	_ =	swait.ge [sflag:s26], $0x20  }
0x31: {  	[sflag:s26] =	ssyncset.done $0x0  }
0x32: {  	s6 =	simm.s32 $0x100;
	[sflag:s26] =	ssyncadd.s32 $0xFFFFFFE0  }
0x33: {  	[tilespmem:s6], [sflag:$0x2] =	stream.linear.gather [hbm4b:s12+s2], $0x20, $0x38;
	[tilespmem:$0xAA80] =	vst v63  }
0x34: {  	_ =	swait.ge [sflag:s26], $0x20  }
0x35: {  	[sflag:s26] =	ssyncset.done $0x0  }
0x36: {  	s5 =	simm.s32 $0x120;
	[sflag:s26] =	ssyncadd.s32 $0xFFFFFFE0  }
0x37: {  	[tilespmem:s5], [sflag:$0x2] =	stream.linear.gather [hbm4b:s13+s2], $0x20, $0x38;
	[tilespmem:$0xAA80] =	vst v63  }
0x38: {  	_ =	swait.ge [sflag:s26], $0x20  }
0x39: {  	[sflag:s26] =	ssyncset.done $0x0  }
0x3a: {  	[sflag:s26] =	ssyncadd.s32 $0xFFFFFFE0  }
0x3b: {  	[tilespmem:s31], [sflag:$0x2] =	stream.linear.gather [hbm4b:s14+s2], $0x20, $0x38;
	[tilespmem:$0xAA80] =	vst v63  }
0x3c: {  	_ =	swait.ge [sflag:s26], $0x20  }
0x3d: {  	[sflag:s26] =	ssyncset.done $0x0  }
0x3e: {  	s6 =	simm.s32 $0x160;
	[sflag:s26] =	ssyncadd.s32 $0xFFFFFFE0  }
0x3f: {  	[tilespmem:s6], [sflag:$0x2] =	stream.linear.gather [hbm4b:s15+s2], $0x20, $0x38;
	[tilespmem:$0xAA80] =	vst v63  }
0x40: {  	_ =	swait.ge [sflag:s26], $0x20  }
0x41: {  	[sflag:s26] =	ssyncset.done $0x0  }
0x42: {  	s5 =	simm.s32 $0x180;
	[sflag:s26] =	ssyncadd.s32 $0xFFFFFFE0  }
0x43: {  	[tilespmem:s5], [sflag:$0x2] =	stream.linear.gather [hbm4b:s16+s2], $0x20, $0x38;
	[tilespmem:$0xAA80] =	vst v63  }
0x44: {  	_ =	swait.ge [sflag:s26], $0x20  }
0x45: {  	[sflag:s26] =	ssyncset.done $0x0  }
0x46: {  	s6 =	simm.s32 $0x1A0;
	[sflag:s26] =	ssyncadd.s32 $0xFFFFFFE0  }
0x47: {  	[tilespmem:s6], [sflag:$0x2] =	stream.linear.gather [hbm4b:s17+s2], $0x20, $0x38;
	[tilespmem:$0xAA80] =	vst v63  }
0x48: {  	_ =	swait.ge [sflag:s26], $0x20  }
0x49: {  	[sflag:s26] =	ssyncset.done $0x0  }
0x4a: {  	s5 =	simm.s32 $0x1C0;
	[sflag:s26] =	ssyncadd.s32 $0xFFFFFFE0  }
0x4b: {  	[tilespmem:s5], [sflag:$0x2] =	stream.linear.gather [hbm4b:s18+s2], $0x20, $0x38;
	[tilespmem:$0xAA80] =	vst v63  }
0x4c: {  	_ =	swait.ge [sflag:s26], $0x20  }
0x4d: {  	[sflag:s26] =	ssyncset.done $0x0  }
0x4e: {  	[sflag:s26] =	ssyncadd.s32 $0xFFFFFFE0  }
0x4f: {  	[tilespmem:s0], [sflag:$0x2] =	stream.linear.gather [hbm4b:s19+s2], $0x20, $0x38;
	[tilespmem:$0xAA80] =	vst v63  }
0x50: {  	_ =	swait.ge [sflag:s26], $0x20  }
0x51: {  	[sflag:s26] =	ssyncset.done $0x0  }
0x52: {  	s6 =	simm.s32 $0x200;
	[sflag:s26] =	ssyncadd.s32 $0xFFFFFFE0  }
0x53: {  	[tilespmem:s6], [sflag:$0x2] =	stream.linear.gather [hbm4b:s20+s2], $0x20, $0x38;
	[tilespmem:$0xAA80] =	vst v63  }
0x54: {  	_ =	swait.ge [sflag:s26], $0x20  }
0x55: {  	[sflag:s26] =	ssyncset.done $0x0  }
0x56: {  	s5 =	simm.s32 $0x220;
	[sflag:s26] =	ssyncadd.s32 $0xFFFFFFE0  }
0x57: {  	[tilespmem:s5], [sflag:$0x2] =	stream.linear.gather [hbm4b:s21+s2], $0x20, $0x38;
	[tilespmem:$0xAA80] =	vst v63  }
0x58: {  	_ =	swait.ge [sflag:s26], $0x20  }
0x59: {  	[sflag:s26] =	ssyncset.done $0x0  }
0x5a: {  	s6 =	simm.s32 $0x240;
	[sflag:s26] =	ssyncadd.s32 $0xFFFFFFE0  }
0x5b: {  	[tilespmem:s6], [sflag:$0x2] =	stream.linear.gather [hbm4b:s23+s2], $0x20, $0x38;
	[tilespmem:$0xAA80] =	vst v63  }
0x5c: {  	_ =	swait.ge [sflag:s26], $0x20  }
0x5d: {  	[sflag:s26] =	ssyncset.done $0x0  }
0x5e: {  	s5 =	simm.s32 $0x260;
	[sflag:s26] =	ssyncadd.s32 $0xFFFFFFE0  }
0x5f: {  	[tilespmem:s5], [sflag:$0x2] =	stream.linear.gather [hbm4b:s24+s2], $0x20, $0x38;
	[tilespmem:$0xAA80] =	vst v63  }
0x60: {  	_ =	swait.ge [sflag:s26], $0x20  }
0x61: {  	[sflag:s26] =	ssyncset.done $0x0  }
0x62: {  	s6 =	simm.s32 $0x280;
	[sflag:s26] =	ssyncadd.s32 $0xFFFFFFE0  }
0x63: {  	[tilespmem:s6], [sflag:$0x1] =	stream.indirect.gather [hbm4b:s3+s29], $0x40, s2, s29, $0xb8;
	[tilespmem:$0xAA80] =	vst v63  }
0x64: {  	s5 =	simm.s32 $0x1680  }
0x65: {  	[tilespmem:s5], [sflag:$0x1] =	stream.indirect.gather [hbm4b:s3+s29], $0x40, s29, s29, $0xb8;
	[tilespmem:$0xAA80] =	vst v63  }
0x66: {  	s6 =	simm.s32 $0x2A80  }
0x67: {  	[tilespmem:s6], [sflag:$0x1] =	stream.indirect.gather [hbm4b:s3+s29], $0x40, s1, s29, $0xb8;
	[tilespmem:$0xAA80] =	vst v63  }
0x68: {  	s5 =	simm.s32 $0xF0;
	s6 =	simm.s32 $0x3E80  }
0x69: {  	[tilespmem:s6], [sflag:$0x1] =	stream.indirect.gather [hbm4b:s3+s29], $0x40, s5, s29, $0xb8;
	[tilespmem:$0xAA80] =	vst v63  }
0x6a: {  	s6 =	simm.s32 $0x5280  }
0x6b: {  	[tilespmem:s6], [sflag:$0x1] =	stream.indirect.gather [hbm4b:s3+s29], $0x40, s31, s29, $0xb8;
	[tilespmem:$0xAA80] =	vst v63  }
0x6c: {  	s5 =	simm.s32 $0x190;
	s6 =	simm.s32 $0x6680  }
0x6d: {  	[tilespmem:s6], [sflag:$0x1] =	stream.indirect.gather [hbm4b:s3+s29], $0x40, s5, s29, $0xb8;
	[tilespmem:$0xAA80] =	vst v63  }
0x6e: {  	s6 =	simm.s32 $0x7A80  }
0x6f: {  	[tilespmem:s6], [sflag:$0x1] =	stream.indirect.gather [hbm4b:s3+s29], $0x40, s0, s29, $0xb8;
	[tilespmem:$0xAA80] =	vst v63  }
0x70: {  	s5 =	simm.s32 $0x230;
	s6 =	simm.s32 $0x8E80  }
0x71: {  	[tilespmem:s6], [sflag:$0x1] =	stream.indirect.gather [hbm4b:s3+s29], $0x40, s5, s29, $0xb8;
	[tilespmem:$0xAA80] =	vst v63  }
0x72: {  	_ =	swait.ge [sflag:s28], $0x1400  }
0x73: {  	[sflag:s28] =	ssyncset.done $0x0  }
0x74: {  	[sflag:s28] =	ssyncadd.s32 $0xFFFFEC00  }
0x75: {  	_ =	swait.ge [sflag:s28], $0x1400  }
0x76: {  	[sflag:s28] =	ssyncset.done $0x0  }
0x77: {  	[sflag:s28] =	ssyncadd.s32 $0xFFFFEC00  }
0x78: {  	_ =	swait.ge [sflag:s28], $0x1400  }
0x79: {  	[sflag:s28] =	ssyncset.done $0x0  }
0x7a: {  	[sflag:s28] =	ssyncadd.s32 $0xFFFFEC00  }
0x7b: {  	_ =	swait.ge [sflag:s28], $0x1400  }
0x7c: {  	[sflag:s28] =	ssyncset.done $0x0  }
0x7d: {  	[sflag:s28] =	ssyncadd.s32 $0xFFFFEC00  }
0x7e: {  	_ =	swait.ge [sflag:s28], $0x1400  }
0x7f: {  	[sflag:s28] =	ssyncset.done $0x0  }
0x80: {  	[sflag:s28] =	ssyncadd.s32 $0xFFFFEC00  }
0x81: {  	_ =	swait.ge [sflag:s28], $0x1400  }
0x82: {  	[sflag:s28] =	ssyncset.done $0x0  }
0x83: {  	[sflag:s28] =	ssyncadd.s32 $0xFFFFEC00  }
0x84: {  	_ =	swait.ge [sflag:s28], $0x1400  }
0x85: {  	[sflag:s28] =	ssyncset.done $0x0  }
0x86: {  	[sflag:s28] =	ssyncadd.s32 $0xFFFFEC00  }
0x87: {  	_ =	swait.ge [sflag:s28], $0x1400  }
0x88: {  	[sflag:s28] =	ssyncset.done $0x0  }
0x89: {  	s4 =	simm.s32 $0x0;
	[sflag:s28] =	ssyncadd.s32 $0xFFFFEC00  }
0x8a: {  	v0 =	vld [tilespmem:s4+$0x2B0]  }
0x8b: {  	v1 =	vld [tilespmem:s4+$0xAB0]  }
0x8c: {  	v2 =	vld [tilespmem:s4+$0x280]  }
0x8d: {  	v3 =	vld [tilespmem:s4+$0x12B0]  }
0x8e: {  	v4 =	vld [tilespmem:s4+$0xA80]  }
0x8f: {  	v5 =	vld [tilespmem:s4+$0x1AB0]  }
0x90: {  	v6 =	vld [tilespmem:s4+$0x290]  }
0x91: {  	v7 =	vld [tilespmem:s4+$0xA90]  }
0x92: {  	v8 =	vld [tilespmem:s4+$0x2A0]  }
0x93: {  	v9 =	vld [tilespmem:s4+$0xAA0]  }
0x94: {  	v10 =	vld [tilespmem:s4+$0x1280]  }
0x95: {  	v11 =	vld [tilespmem:s4+$0x1290]  }
0x96: {  	v12 =	vld [tilespmem:s4+$0x12A0]  }
0x97: {  	v13 =	vld [tilespmem:s4+$0x1A80]  }
0x98: {  	v14 =	vld [tilespmem:s4+$0x1A90]  }
0x99: {  	v15 =	vld [tilespmem:s4+$0x1AA0]  }
0x9a: {  	v16 =	vld [tilespmem:s4+$0x2280]  }
0x9b: {  	v17 =	vld [tilespmem:s4+$0x2290];
	v0 =	vadd.f32 v1, v0  }
0x9c: {  	v1 =	vld [tilespmem:s4+$0x22B0]  }
0x9d: {  	v18 =	vld [tilespmem:s4+$0x22A0];
	v0 =	vadd.f32 v3, v0  }
0x9e: {  	v3 =	vld [tilespmem:s4+$0x2AB0]  }
0x9f: {  	v19 =	vld [tilespmem:s4+$0x2A80];
	v0 =	vadd.f32 v5, v0  }
0xa0: {  	v5 =	vld [tilespmem:s4+$0x32B0]  }
0xa1: {  	v20 =	vld [tilespmem:s4+$0x2A90];
	v0 =	vadd.f32 v1, v0  }
0xa2: {  	v1 =	vld [tilespmem:s4+$0x3AB0]  }
0xa3: {  	v21 =	vld [tilespmem:s4+$0x2AA0];
	v0 =	vadd.f32 v3, v0  }
0xa4: {  	v3 =	vld [tilespmem:s4+$0x42B0]  }
0xa5: {  	v22 =	vld [tilespmem:s4+$0x3280];
	v0 =	vadd.f32 v5, v0  }
0xa6: {  	v5 =	vld [tilespmem:s4+$0x4AB0]  }
0xa7: {  	v23 =	vld [tilespmem:s4+$0x32A0];
	v0 =	vadd.f32 v1, v0  }
0xa8: {  	v1 =	vld [tilespmem:s4+$0x52B0]  }
0xa9: {  	v24 =	vld [tilespmem:s4+$0x3A90];
	v0 =	vadd.f32 v3, v0  }
0xaa: {  	v3 =	vld [tilespmem:s4+$0x5AB0]  }
0xab: {  	v25 =	vld [tilespmem:s4+$0x4280];
	v0 =	vadd.f32 v5, v0  }
0xac: {  	v5 =	vld [tilespmem:s4+$0x62B0]  }
0xad: {  	v48 =	vld [tilespmem:s4+$0x4A90];
	v0 =	vadd.f32 v1, v0  }
0xae: {  	v1 =	vld [tilespmem:s4+$0x6AB0]  }
0xaf: {  	v49 =	vld [tilespmem:s4+$0x4AA0];
	v0 =	vadd.f32 v3, v0  }
0xb0: {  	v3 =	vld [tilespmem:s4+$0x72B0]  }
0xb1: {  	v50 =	vld [tilespmem:s4+$0x5280];
	v0 =	vadd.f32 v5, v0  }
0xb2: {  	v5 =	vld [tilespmem:s4+$0x7AB0]  }
0xb3: {  	v51 =	vld [tilespmem:s4+$0x5290];
	v0 =	vadd.f32 v1, v0  }
0xb4: {  	v1 =	vld [tilespmem:s4+$0x82B0]  }
0xb5: {  	v52 =	vld [tilespmem:s4+$0x52A0];
	v0 =	vadd.f32 v3, v0  }
0xb6: {  	v3 =	vld [tilespmem:s4+$0x8AB0]  }
0xb7: {  	v53 =	vld [tilespmem:s4+$0x5A80];
	v0 =	vadd.f32 v5, v0  }
0xb8: {  	v2 =	vadd.f32 v4, v2;
	v4 =	vadd.f32 v7, v6;
	v5 =	vld [tilespmem:s4+$0x92B0]  }
0xb9: {  	v54 =	vld [tilespmem:s4+$0x5A90];
	v7 =	vadd.f32 v9, v8;
	v0 =	vadd.f32 v1, v0  }
0xba: {  	v2 =	vadd.f32 v10, v2;
	v4 =	vadd.f32 v11, v4;
	v1 =	vld [tilespmem:s4+$0x9AB0]  }
0xbb: {  	v55 =	vld [tilespmem:s4+$0x5AA0];
	v7 =	vadd.f32 v12, v7;
	v0 =	vadd.f32 v3, v0  }
0xbc: {  	v56 =	vld [tilespmem:s4+$0x6290];
	v2 =	vadd.f32 v13, v2;
	v4 =	vadd.f32 v14, v4  }
0xbd: {  	v7 =	vadd.f32 v15, v7;
	v3 =	vld [tilespmem:s4+$0x3290];
	v0 =	vadd.f32 v5, v0  }
0xbe: {  	v57 =	vld [tilespmem:s4+$0x7290];
	v2 =	vadd.f32 v16, v2;
	v4 =	vadd.f32 v17, v4  }
0xbf: {  	v7 =	vadd.f32 v18, v7;
	v5 =	vld [tilespmem:s4+$0x3A80];
	v0 =	vadd.f32 v1, v0  }
0xc0: {  	v2 =	vadd.f32 v19, v2;
	v4 =	vadd.f32 v20, v4;
	v1 =	vld [tilespmem:s4+$0x3AA0]  }
0xc1: {  	v7 =	vadd.f32 v21, v7;
	[tilespmem:s4+$0xA2B0] =	vst v0;
	v0 =	vld [tilespmem:s4+$0x4290]  }
0xc2: {  	v6 =	vld [tilespmem:s4+$0x42A0];
	v2 =	vadd.f32 v22, v2;
	v3 =	vadd.f32 v3, v4  }
0xc3: {  	v8 =	vld [tilespmem:s4+$0x4A80];
	v7 =	vadd.f32 v23, v7  }
0xc4: {  	v58 =	vld [tilespmem:s4+$0x72A0];
	v2 =	vadd.f32 v5, v2;
	v3 =	vadd.f32 v24, v3  }
0xc5: {  	v59 =	vld [tilespmem:s4+$0x7A80];
	v1 =	vadd.f32 v1, v7  }
0xc6: {  	v60 =	vld [tilespmem:s4+$0x7A90];
	v2 =	vadd.f32 v25, v2;
	v0 =	vadd.f32 v0, v3  }
0xc7: {  	v61 =	vld [tilespmem:s4+$0x7AA0];
	v1 =	vadd.f32 v6, v1  }
0xc8: {  	v4 =	vld [tilespmem:s4+$0x6280];
	v2 =	vadd.f32 v8, v2;
	v0 =	vadd.f32 v48, v0  }
0xc9: {  	v5 =	vld [tilespmem:s4+$0x62A0];
	v1 =	vadd.f32 v49, v1  }
0xca: {  	v7 =	vld [tilespmem:s4+$0x6A80];
	v2 =	vadd.f32 v50, v2;
	v0 =	vadd.f32 v51, v0  }
0xcb: {  	v3 =	vld [tilespmem:s4+$0x6A90];
	v1 =	vadd.f32 v52, v1  }
0xcc: {  	v6 =	vld [tilespmem:s4+$0x6AA0];
	v2 =	vadd.f32 v53, v2;
	v0 =	vadd.f32 v54, v0  }
0xcd: {  	v8 =	vld [tilespmem:s4+$0x7280];
	v1 =	vadd.f32 v55, v1  }
0xce: {  	v62 =	vld [tilespmem:s4+$0x9280];
	v2 =	vadd.f32 v4, v2;
	v0 =	vadd.f32 v56, v0  }
0xcf: {  	v4 =	vld [tilespmem:s4+$0x8280];
	v1 =	vadd.f32 v5, v1  }
0xd0: {  	v5 =	vld [tilespmem:s4+$0x8290];
	v2 =	vadd.f32 v7, v2;
	v0 =	vadd.f32 v3, v0  }
0xd1: {  	v7 =	vld [tilespmem:s4+$0x8A90];
	v1 =	vadd.f32 v6, v1  }
0xd2: {  	v3 =	vld [tilespmem:s4+$0x82A0];
	v2 =	vadd.f32 v8, v2;
	v0 =	vadd.f32 v57, v0  }
0xd3: {  	v6 =	vld [tilespmem:s4+$0x8A80];
	v1 =	vadd.f32 v58, v1  }
0xd4: {  	v8 =	vld [tilespmem:s4+$0x8AA0];
	v2 =	vadd.f32 v59, v2;
	v0 =	vadd.f32 v60, v0  }
0xd5: {  	v63 =	vld [tilespmem:s4+$0x9290];
	v10 =	vadd.f32 v61, v1  }
0xd6: {  	v2 =	vadd.f32 v4, v2;
	v1 =	vld [tilespmem:s4+$0x92A0];
	v0 =	vadd.f32 v5, v0  }
0xd7: {  	v4 =	vadd.f32 v3, v10;
	v3 =	vld [tilespmem:s4+$0x9A80]  }
0xd8: {  	v6 =	vadd.f32 v6, v2;
	v2 =	vld [tilespmem:s4+$0x9A90];
	v7 =	vadd.f32 v7, v0  }
0xd9: {  	s6 =	simm.s32 $0x40;
	v5 =	vadd.f32 v8, v4;
	v4 =	vld [tilespmem:s4+$0x9AA0]  }
0xda: {  	s5 =	simm.s32 $0x200;
	v6 =	vadd.f32 v62, v6;
	v0 =	vld [tilespmem:s6+$0x2B0];
	v7 =	vadd.f32 v63, v7  }
.LBB2_2:
0xdb: {  	p0 =	sne.s32 s5, $0x1F00;
	v8 =	vld [tilespmem:s6+$0xAB0];
	v1 =	vadd.f32 v1, v5  }
0xdc: {  	v5 =	vld [tilespmem:s6+$0x280];
	v3 =	vadd.f32 v3, v6  }
0xdd: {  	v6 =	vld [tilespmem:s6+$0x12B0];
	v2 =	vadd.f32 v2, v7  }
0xde: {  	v7 =	vld [tilespmem:s6+$0xA80];
	[tilespmem:s4+$0xA280] =	vst v3;
	v1 =	vadd.f32 v4, v1  }
0xdf: {  	v3 =	vld [tilespmem:s6+$0x1AB0];
	[tilespmem:s4+$0xA290] =	vst v2  }
0xe0: {  	v2 =	vld [tilespmem:s6+$0x290];
	v0 =	vadd.f32 v8, v0;
	[tilespmem:s4+$0xA2A0] =	vst v1;
	s4 =	smov.u32 s6  }
0xe1: {  	v1 =	vld [tilespmem:s4+$0x22B0]  }
0xe2: {  	v4 =	vld [tilespmem:s4+$0xA90];
	v0 =	vadd.f32 v6, v0  }
0xe3: {  	v5 =	vadd.f32 v7, v5;
	v6 =	vld [tilespmem:s4+$0x2AB0]  }
0xe4: {  	v7 =	vld [tilespmem:s4+$0x2A0];
	v0 =	vadd.f32 v3, v0  }
0xe5: {  	v3 =	vld [tilespmem:s4+$0x32B0]  }
0xe6: {  	v8 =	vld [tilespmem:s4+$0xAA0];
	v0 =	vadd.f32 v1, v0  }
0xe7: {  	v1 =	vadd.f32 v4, v2;
	v2 =	vld [tilespmem:s4+$0x3AB0]  }
0xe8: {  	v4 =	vld [tilespmem:s4+$0x1280];
	v0 =	vadd.f32 v6, v0  }
0xe9: {  	v6 =	vld [tilespmem:s4+$0x42B0]  }
0xea: {  	v9 =	vld [tilespmem:s4+$0x1290];
	v0 =	vadd.f32 v3, v0  }
0xeb: {  	v3 =	vadd.f32 v8, v7;
	v7 =	vld [tilespmem:s4+$0x4AB0]  }
0xec: {  	v8 =	vld [tilespmem:s4+$0x12A0];
	v0 =	vadd.f32 v2, v0  }
0xed: {  	v2 =	vadd.f32 v4, v5;
	v4 =	vld [tilespmem:s4+$0x52B0]  }
0xee: {  	v5 =	vld [tilespmem:s4+$0x1A80];
	v0 =	vadd.f32 v6, v0  }
0xef: {  	v1 =	vadd.f32 v9, v1;
	v6 =	vld [tilespmem:s4+$0x5AB0]  }
0xf0: {  	v9 =	vld [tilespmem:s4+$0x1A90];
	v0 =	vadd.f32 v7, v0  }
0xf1: {  	v3 =	vadd.f32 v8, v3;
	v7 =	vld [tilespmem:s4+$0x62B0]  }
0xf2: {  	v8 =	vld [tilespmem:s4+$0x1AA0];
	v0 =	vadd.f32 v4, v0  }
0xf3: {  	v2 =	vadd.f32 v5, v2;
	v4 =	vld [tilespmem:s4+$0x6AB0]  }
0xf4: {  	v5 =	vld [tilespmem:s4+$0x2280];
	v0 =	vadd.f32 v6, v0  }
0xf5: {  	v1 =	vadd.f32 v9, v1;
	v6 =	vld [tilespmem:s4+$0x72B0]  }
0xf6: {  	v9 =	vld [tilespmem:s4+$0x2290];
	v0 =	vadd.f32 v7, v0  }
0xf7: {  	v3 =	vadd.f32 v8, v3;
	v7 =	vld [tilespmem:s4+$0x7AB0]  }
0xf8: {  	v8 =	vld [tilespmem:s4+$0x22A0];
	v0 =	vadd.f32 v4, v0  }
0xf9: {  	v2 =	vadd.f32 v5, v2;
	v4 =	vld [tilespmem:s4+$0x82B0]  }
0xfa: {  	v5 =	vld [tilespmem:s4+$0x2A80];
	v0 =	vadd.f32 v6, v0  }
0xfb: {  	v1 =	vadd.f32 v9, v1;
	v6 =	vld [tilespmem:s4+$0x8AB0]  }
0xfc: {  	v9 =	vld [tilespmem:s4+$0x2A90];
	v0 =	vadd.f32 v7, v0  }
0xfd: {  	v3 =	vadd.f32 v8, v3;
	v7 =	vld [tilespmem:s4+$0x92B0]  }
0xfe: {  	v8 =	vld [tilespmem:s4+$0x2AA0];
	v0 =	vadd.f32 v4, v0  }
0xff: {  	v2 =	vadd.f32 v5, v2;
	v4 =	vld [tilespmem:s4+$0x9AB0]  }
0x100: {  	v5 =	vld [tilespmem:s4+$0x3280];
	v0 =	vadd.f32 v6, v0  }
0x101: {  	v1 =	vadd.f32 v9, v1;
	v6 =	vld [tilespmem:s4+$0x3290]  }
0x102: {  	v9 =	vld [tilespmem:s4+$0x32A0];
	v0 =	vadd.f32 v7, v0  }
0x103: {  	v7 =	vld [tilespmem:s4+$0x3A80];
	v3 =	vadd.f32 v8, v3  }
0x104: {  	v8 =	vld [tilespmem:s4+$0x3A90];
	v0 =	vadd.f32 v4, v0  }
0x105: {  	v2 =	vadd.f32 v5, v2;
	v4 =	vld [tilespmem:s4+$0x3AA0]  }
0x106: {  	v5 =	vld [tilespmem:s4+$0x4280];
	v1 =	vadd.f32 v6, v1;
	[tilespmem:s4+$0xA2B0] =	vst v0  }
0x107: {  	v0 =	vld [tilespmem:s4+$0x4290];
	v3 =	vadd.f32 v9, v3  }
0x108: {  	v2 =	vadd.f32 v7, v2;
	v6 =	vld [tilespmem:s4+$0x42A0]  }
0x109: {  	v7 =	vld [tilespmem:s4+$0x4A80];
	v1 =	vadd.f32 v8, v1  }
0x10a: {  	v8 =	vld [tilespmem:s4+$0x4A90];
	v3 =	vadd.f32 v4, v3  }
0x10b: {  	v2 =	vadd.f32 v5, v2;
	v4 =	vld [tilespmem:s4+$0x4AA0]  }
0x10c: {  	v5 =	vld [tilespmem:s4+$0x5280];
	v0 =	vadd.f32 v0, v1  }
0x10d: {  	v1 =	vld [tilespmem:s4+$0x5290];
	v3 =	vadd.f32 v6, v3  }
0x10e: {  	v2 =	vadd.f32 v7, v2;
	v6 =	vld [tilespmem:s4+$0x52A0]  }
0x10f: {  	v7 =	vld [tilespmem:s4+$0x5A80];
	v0 =	vadd.f32 v8, v0  }
0x110: {  	v8 =	vld [tilespmem:s4+$0x5A90];
	v3 =	vadd.f32 v4, v3  }
0x111: {  	v2 =	vadd.f32 v5, v2;
	v4 =	vld [tilespmem:s4+$0x5AA0]  }
0x112: {  	v5 =	vld [tilespmem:s4+$0x6280];
	v0 =	vadd.f32 v1, v0  }
0x113: {  	v1 =	vld [tilespmem:s4+$0x6290];
	v3 =	vadd.f32 v6, v3  }
0x114: {  	v2 =	vadd.f32 v7, v2;
	v6 =	vld [tilespmem:s4+$0x62A0]  }
0x115: {  	v7 =	vld [tilespmem:s4+$0x6A80];
	v0 =	vadd.f32 v8, v0  }
0x116: {  	v8 =	vld [tilespmem:s4+$0x6A90];
	v3 =	vadd.f32 v4, v3  }
0x117: {  	v2 =	vadd.f32 v5, v2;
	v4 =	vld [tilespmem:s4+$0x6AA0]  }
0x118: {  	v5 =	vld [tilespmem:s4+$0x7280];
	v0 =	vadd.f32 v1, v0  }
0x119: {  	v1 =	vld [tilespmem:s4+$0x7290];
	v3 =	vadd.f32 v6, v3  }
0x11a: {  	v2 =	vadd.f32 v7, v2;
	v6 =	vld [tilespmem:s4+$0x72A0]  }
0x11b: {  	v7 =	vld [tilespmem:s4+$0x7A80];
	v0 =	vadd.f32 v8, v0  }
0x11c: {  	v8 =	vld [tilespmem:s4+$0x7A90];
	v3 =	vadd.f32 v4, v3  }
0x11d: {  	v2 =	vadd.f32 v5, v2;
	v4 =	vld [tilespmem:s4+$0x7AA0]  }
0x11e: {  	v5 =	vld [tilespmem:s4+$0x8280];
	v0 =	vadd.f32 v1, v0  }
0x11f: {  	v1 =	vld [tilespmem:s4+$0x8290];
	v3 =	vadd.f32 v6, v3  }
0x120: {  	v2 =	vadd.f32 v7, v2;
	v6 =	vld [tilespmem:s4+$0x82A0]  }
0x121: {  	v7 =	vld [tilespmem:s4+$0x8A80];
	v0 =	vadd.f32 v8, v0  }
0x122: {  	v8 =	vld [tilespmem:s4+$0x8A90];
	v3 =	vadd.f32 v4, v3  }
0x123: {  	v2 =	vadd.f32 v5, v2;
	v4 =	vld [tilespmem:s4+$0x8AA0]  }
0x124: {  	v9 =	vld [tilespmem:s4+$0x9280];
	v0 =	vadd.f32 v1, v0  }
0x125: {  	v10 =	vld [tilespmem:s4+$0x9290];
	v5 =	vadd.f32 v6, v3  }
.Ltmp0:
0x126: {  	v6 =	vadd.f32 v7, v2;
	v1 =	vld [tilespmem:s4+$0x92A0];
	(pc) =	sbr.rel @p0 .LBB2_2-.Ltmp0, $4  }
0x127: {  	v3 =	vld [tilespmem:s4+$0x9A80];
	v7 =	vadd.f32 v8, v0  }
0x128: {  	v2 =	vld [tilespmem:s4+$0x9A90];
	v5 =	vadd.f32 v4, v5  }
0x129: {  	s6 =	sshra.s32 s5, $0x2;
	v6 =	vadd.f32 v9, v6;
	v4 =	vld [tilespmem:s4+$0x9AA0]  }
0x12a: {  	s5 =	sadd.s32 $0x100, s5;
	v0 =	vld [tilespmem:s6+$0x2B0];
	v7 =	vadd.f32 v10, v7  }
0x12b: {  	v8 =	vld [tilespmem:s6+$0xAB0]  }
0x12c: {  	v9 =	vld [tilespmem:s6+$0x280];
	v1 =	vadd.f32 v1, v5;
	v3 =	vadd.f32 v3, v6  }
0x12d: {  	v41 =	vld [tilespmem:s6+$0x12B0];
	v2 =	vadd.f32 v2, v7  }
0x12e: {  	v10 =	vld [tilespmem:s6+$0xA80];
	[tilespmem:s4+$0xA280] =	vst v3;
	v1 =	vadd.f32 v4, v1  }
0x12f: {  	v3 =	vld [tilespmem:s6+$0x1AB0];
	[tilespmem:s4+$0xA290] =	vst v2  }
0x130: {  	v2 =	vld [tilespmem:s6+$0x290];
	[tilespmem:s4+$0xA2A0] =	vst v1  }
0x131: {  	v1 =	vld [tilespmem:s6+$0x22B0]  }
0x132: {  	v42 =	vld [tilespmem:s6+$0xA90]  }
0x133: {  	v43 =	vld [tilespmem:s6+$0x2AB0]  }
0x134: {  	v44 =	vld [tilespmem:s6+$0x2A0]  }
0x135: {  	v45 =	vld [tilespmem:s6+$0x32B0]  }
0x136: {  	v46 =	vld [tilespmem:s6+$0xAA0]  }
0x137: {  	v47 =	vld [tilespmem:s6+$0x3AB0]  }
0x138: {  	v48 =	vld [tilespmem:s6+$0x1280]  }
0x139: {  	v49 =	vld [tilespmem:s6+$0x42B0]  }
0x13a: {  	v11 =	vld [tilespmem:s6+$0x1290]  }
0x13b: {  	v50 =	vld [tilespmem:s6+$0x4AB0]  }
0x13c: {  	v12 =	vld [tilespmem:s6+$0x12A0]  }
0x13d: {  	v51 =	vld [tilespmem:s6+$0x52B0]  }
0x13e: {  	v13 =	vld [tilespmem:s6+$0x1A80]  }
0x13f: {  	v52 =	vld [tilespmem:s6+$0x5AB0]  }
0x140: {  	v14 =	vld [tilespmem:s6+$0x1A90]  }
0x141: {  	v53 =	vld [tilespmem:s6+$0x62B0]  }
0x142: {  	v0 =	vadd.f32 v8, v0;
	v15 =	vld [tilespmem:s6+$0x1AA0]  }
0x143: {  	v54 =	vld [tilespmem:s6+$0x6AB0]  }
0x144: {  	v16 =	vld [tilespmem:s6+$0x2280];
	v0 =	vadd.f32 v41, v0  }
0x145: {  	v55 =	vld [tilespmem:s6+$0x72B0]  }
0x146: {  	v17 =	vld [tilespmem:s6+$0x2290];
	v0 =	vadd.f32 v3, v0  }
0x147: {  	v56 =	vld [tilespmem:s6+$0x7AB0]  }
0x148: {  	v18 =	vld [tilespmem:s6+$0x22A0];
	v0 =	vadd.f32 v1, v0  }
0x149: {  	v57 =	vld [tilespmem:s6+$0x82B0]  }
0x14a: {  	v19 =	vld [tilespmem:s6+$0x2A80];
	v0 =	vadd.f32 v43, v0  }
0x14b: {  	v58 =	vld [tilespmem:s6+$0x8AB0]  }
0x14c: {  	v20 =	vld [tilespmem:s6+$0x2A90];
	v0 =	vadd.f32 v45, v0  }
0x14d: {  	v59 =	vld [tilespmem:s6+$0x92B0]  }
0x14e: {  	v21 =	vld [tilespmem:s6+$0x2AA0];
	v0 =	vadd.f32 v47, v0  }
0x14f: {  	v60 =	vld [tilespmem:s6+$0x9AB0]  }
0x150: {  	v22 =	vld [tilespmem:s6+$0x3280];
	v0 =	vadd.f32 v49, v0  }
0x151: {  	v61 =	vld [tilespmem:s6+$0x3290]  }
0x152: {  	v23 =	vld [tilespmem:s6+$0x32A0];
	v0 =	vadd.f32 v50, v0  }
0x153: {  	v62 =	vld [tilespmem:s6+$0x3A80]  }
0x154: {  	v24 =	vld [tilespmem:s6+$0x3A90];
	v0 =	vadd.f32 v51, v0  }
0x155: {  	v63 =	vld [tilespmem:s6+$0x3AA0]  }
0x156: {  	v25 =	vld [tilespmem:s6+$0x4280];
	v0 =	vadd.f32 v52, v0  }
0x157: {  	v27 =	vld [tilespmem:s6+$0x4290]  }
0x158: {  	v28 =	vld [tilespmem:s6+$0x42A0];
	v6 =	vadd.f32 v46, v44;
	v0 =	vadd.f32 v53, v0  }
0x159: {  	v9 =	vadd.f32 v10, v9;
	v29 =	vld [tilespmem:s6+$0x4A80];
	v2 =	vadd.f32 v42, v2  }
0x15a: {  	v31 =	vld [tilespmem:s6+$0x4A90];
	v6 =	vadd.f32 v12, v6;
	v0 =	vadd.f32 v54, v0  }
0x15b: {  	v32 =	vld [tilespmem:s6+$0x4AA0];
	v30 =	vadd.f32 v48, v9;
	v2 =	vadd.f32 v11, v2  }
0x15c: {  	v33 =	vld [tilespmem:s6+$0x5280];
	v6 =	vadd.f32 v15, v6;
	v0 =	vadd.f32 v55, v0  }
0x15d: {  	v34 =	vld [tilespmem:s6+$0x5290];
	v7 =	vadd.f32 v13, v30;
	v2 =	vadd.f32 v14, v2  }
0x15e: {  	v35 =	vld [tilespmem:s6+$0x52A0];
	v6 =	vadd.f32 v18, v6;
	v0 =	vadd.f32 v56, v0  }
0x15f: {  	v36 =	vld [tilespmem:s6+$0x5A80];
	v7 =	vadd.f32 v16, v7;
	v2 =	vadd.f32 v17, v2  }
0x160: {  	v37 =	vld [tilespmem:s6+$0x5A90];
	v6 =	vadd.f32 v21, v6;
	v0 =	vadd.f32 v57, v0  }
0x161: {  	v38 =	vld [tilespmem:s6+$0x5AA0];
	v7 =	vadd.f32 v19, v7;
	v2 =	vadd.f32 v20, v2  }
0x162: {  	v39 =	vld [tilespmem:s6+$0x6280];
	v6 =	vadd.f32 v23, v6;
	v0 =	vadd.f32 v58, v0  }
0x163: {  	v40 =	vld [tilespmem:s6+$0x6290];
	v7 =	vadd.f32 v22, v7;
	v2 =	vadd.f32 v61, v2  }
0x164: {  	v41 =	vld [tilespmem:s6+$0x62A0];
	v1 =	vadd.f32 v63, v6;
	v0 =	vadd.f32 v59, v0  }
0x165: {  	v42 =	vld [tilespmem:s6+$0x6A80];
	v3 =	vadd.f32 v62, v7;
	v2 =	vadd.f32 v24, v2  }
0x166: {  	v44 =	vld [tilespmem:s6+$0x6AA0];
	v1 =	vadd.f32 v28, v1;
	v0 =	vadd.f32 v60, v0  }
0x167: {  	v46 =	vld [tilespmem:s6+$0x7290];
	v3 =	vadd.f32 v25, v3  }
0x168: {  	v48 =	vld [tilespmem:s6+$0x7A80];
	v1 =	vadd.f32 v32, v1;
	[tilespmem:s6+$0xA2B0] =	vst v0;
	v0 =	vadd.f32 v27, v2  }
0x169: {  	v43 =	vld [tilespmem:s6+$0x6A90];
	v3 =	vadd.f32 v29, v3  }
0x16a: {  	v45 =	vld [tilespmem:s6+$0x7280];
	v1 =	vadd.f32 v35, v1;
	v0 =	vadd.f32 v31, v0  }
0x16b: {  	v47 =	vld [tilespmem:s6+$0x72A0];
	v3 =	vadd.f32 v33, v3  }
0x16c: {  	v49 =	vld [tilespmem:s6+$0x7A90];
	v1 =	vadd.f32 v38, v1;
	v0 =	vadd.f32 v34, v0  }
0x16d: {  	v50 =	vld [tilespmem:s6+$0x7AA0];
	v3 =	vadd.f32 v36, v3  }
0x16e: {  	v51 =	vld [tilespmem:s6+$0x8280];
	v1 =	vadd.f32 v41, v1;
	v0 =	vadd.f32 v37, v0  }
0x16f: {  	v63 =	vld [tilespmem:s6+$0x9AA0];
	v3 =	vadd.f32 v39, v3  }
0x170: {  	v52 =	vld [tilespmem:s6+$0x8290];
	v1 =	vadd.f32 v44, v1;
	v0 =	vadd.f32 v40, v0  }
0x171: {  	v53 =	vld [tilespmem:s6+$0x82A0];
	v3 =	vadd.f32 v42, v3  }
0x172: {  	v54 =	vld [tilespmem:s6+$0x8A80];
	v1 =	vadd.f32 v47, v1;
	v0 =	vadd.f32 v43, v0  }
0x173: {  	v55 =	vadd.f32 v45, v3;
	v57 =	vld [tilespmem:s6+$0x8AA0]  }
0x174: {  	v56 =	vld [tilespmem:s6+$0x8A90];
	v1 =	vadd.f32 v50, v1;
	v0 =	vadd.f32 v46, v0  }
0x175: {  	v60 =	vld [tilespmem:s6+$0x92A0];
	v2 =	vadd.f32 v48, v55  }
0x176: {  	v58 =	vld [tilespmem:s6+$0x9280];
	v1 =	vadd.f32 v53, v1;
	v0 =	vadd.f32 v49, v0  }
0x177: {  	v59 =	vld [tilespmem:s6+$0x9290];
	v2 =	vadd.f32 v51, v2  }
0x178: {  	v61 =	vld [tilespmem:s6+$0x9A80];
	v1 =	vadd.f32 v57, v1;
	v0 =	vadd.f32 v52, v0  }
0x179: {  	v62 =	vld [tilespmem:s6+$0x9A90];
	v2 =	vadd.f32 v54, v2  }
0x17a: {  	v1 =	vadd.f32 v60, v1;
	v0 =	vadd.f32 v56, v0  }
0x17b: {  	v2 =	vadd.f32 v58, v2  }
0x17c: {  	v1 =	vadd.f32 v63, v1;
	v0 =	vadd.f32 v59, v0  }
0x17d: {  	v2 =	vadd.f32 v61, v2  }
0x17e: {  	s30 =	sadd.s32 $0x1, s30;
	[tilespmem:s6+$0xA2A0] =	vst v1;
	v0 =	vadd.f32 v62, v0  }
0x17f: {  	p0 =	sne.s32 s30, s25;
	[tilespmem:s6+$0xA280] =	vst v2  }
.Ltmp1:
0x180: {  	[tilespmem:s6+$0xA290] =	vst v0;
	s6 =	simm.s32 $0xA280;
	(pc) =	sbr.rel @p0 .LBB2_1-.Ltmp1, $4  }
0x181: {  	[hbm4b:s22+s2] =	stream.linear.scatter [tilespmem:s6], [sflag:$0x2], $0x800, $0x38;
	[tilespmem:$0xAA80] =	vst v63  }
0x182: {  	_ =	swait.ge [sflag:s26], $0x800  }
0x183: {  	[sflag:s26] =	ssyncset.done $0x0  }
0x184: {  	[sflag:s26] =	ssyncadd.s32 $0xFFFFF800  }
0x185: {  	_ =	sfence.sel $0x180000  }
0x186: {  	[bflag:$0x0] =	sbarrier.arrive $0xFFFF  }
0x187: {  	_ =	strace $0x90000047  }
0x188: {  	s0 =	stileid.u32;
	[bflag:$0x2] =	sbarrier.arrive $0xFFFF  }
0x189: {  	p0 =	sne.s32 s0, $0x0;
	s0 =	rddreg [dreg:$0x2]  }
0x18a: {  	s0 =	sadd.s32 @!p0 $0x100000, s0  }
0x18b: {  	[sflag:s0] =	ssyncadd.tile.s32 @!p0 $0x1;
	_ =	shalt  }
.Lfunc_end2:
_tile_overlayer_lowered:
.L_overlay_start_2:
0x18c: {  	(tag) =	ssettag $0x2  }
0x18d: {  	s0 =	rddreg [dreg:$0x0];
	s2 =	stileid.u32  }
0x18e: {  	s1 =	rddreg [dreg:$0x1];
	p0 =	sne.s32 s2, $0x0  }
0x18f: {  	s3 =	rddreg [dreg:$0x2];
	[bflag:$0x3] =	sbarrier.arrive $0xFFFF;
	s2 =	simm.s32 @!p0 $0x1C02  }
0x190: {  	[timem:s3], [sflag:s2] =	dma.local @!p0 [hbm:s0], s1  }
0x191: {  	s0 =	simm.s32 @!p0 $0x2  }
0x192: {  	_ =	swait.ge @!p0 [sflag:s0], s1  }
0x193: {  	s1 =	ssub.s32 @!p0 $0x0, s1;
	[sflag:s0] =	ssyncset.done @!p0 $0x0  }
0x194: {  	[sflag:s0] =	ssyncadd.s32 @!p0 s1  }
0x195: {  	[bflag:$0x3] =	sbarrier.arrive $0xFFFF  }
0x196: {  	_ =	shalt  }

</sc_bundles>
